<compile_context>
chip_gen: v7x
topology: tpu7x:2x2x1
jax: 0.10.2.dev20260603
libtpu: 0.0.44.dev20260713+nightly
codegen_flags: <defaults>
</compile_context>

<pallas_src>
import functools

import jax
import jax.numpy as jnp
from jax import lax
from jax.experimental import pallas as pl
from jax.experimental.pallas import tpu as pltpu
from jax.experimental.pallas import tpu_sc as plsc

B, S, D, E, K = 4, 8192, 4096, 64, 8
T = B * S
ROUTE_SCALE = 2.5

NC, NS = 2, 16
NW = NC * NS
CHUNK = T // NW
SUB = 256
LANES = 16

BT = 512


def _mm_body(x_ref, wt_ref, out_ref):
    out_ref[...] = lax.dot_general(
        x_ref[...], wt_ref[...], (((1,), (0,)), ((), ())),
        preferred_element_type=jnp.float32,
        precision=lax.Precision.DEFAULT,
    )


def _tc_logits(x, wt):
    return pl.pallas_call(
        _mm_body,
        grid=(T // BT,),
        in_specs=[
            pl.BlockSpec((BT, D), lambda i: (i, 0)),
            pl.BlockSpec((D, E), lambda i: (0, 0)),
        ],
        out_specs=pl.BlockSpec((BT, E), lambda i: (i, 0)),
        out_shape=jax.ShapeDtypeStruct((T, E), jnp.float32),
    )(x, wt)


def _sc_router_body(logits_hbm, bias_hbm, out_hbm, logits_v, bias_v, out_v):
    wid = lax.axis_index("s") * NC + lax.axis_index("c")
    pltpu.sync_copy(bias_hbm, bias_v)

    iota = lax.iota(jnp.int32, LANES)
    mask8 = iota < K

    def merge(ak, av, bk, bv):
        rbk = lax.rev(bk, (0,))
        rbv = lax.rev(bv, (0,))
        m = ak >= rbk
        mk = jnp.where(m, ak, rbk)
        mv = jnp.where(m, av, rbv)
        return plsc.sort_key_val(mk, mv, descending=True)

    def row(r):
        ks, vs = [], []
        for i in range(E // LANES):
            l = logits_v[r, pl.ds(LANES * i, LANES)]
            s = 1.0 / (1.0 + jnp.exp(-l))
            b = s + bias_v[pl.ds(LANES * i, LANES)]
            k_, v_ = plsc.sort_key_val(b, iota + LANES * i, descending=True)
            ks.append(k_)
            vs.append(v_)
        k01, v01 = merge(ks[0], vs[0], ks[1], vs[1])
        k23, v23 = merge(ks[2], vs[2], ks[3], vs[3])
        kt, vt = merge(k01, v01, k23, v23)
        bsel = plsc.load_gather(bias_v, [vt])
        raw = kt - bsel
        denom = jnp.sum(jnp.where(mask8, raw, jnp.zeros_like(raw)))
        denom_v = lax.broadcast(denom + 1e-20, (LANES,))
        norm = (raw * ROUTE_SCALE) / denom_v
        _, vt_sw = plsc.sort_key_val(jnp.bitwise_xor(iota, K), vt)
        out_v[r, :] = jnp.where(mask8, norm, plsc.bitcast(vt_sw, jnp.float32))

    def subchunk(j, carry):
        base = wid * CHUNK + j * SUB
        pltpu.sync_copy(logits_hbm.at[pl.ds(base, SUB)], logits_v)
        plsc.parallel_loop(0, SUB, unroll=8)(row)
        pltpu.sync_copy(out_v, out_hbm.at[pl.ds(base, SUB)])
        return carry

    lax.fori_loop(0, CHUNK // SUB, subchunk, 0)


@functools.partial(
    pl.kernel,
    out_type=jax.ShapeDtypeStruct((T, LANES), jnp.float32),
    mesh=plsc.VectorSubcoreMesh(core_axis_name="c", subcore_axis_name="s"),
    scratch_types=[
        pltpu.VMEM((SUB, E), jnp.float32),
        pltpu.VMEM((E,), jnp.float32),
        pltpu.VMEM((SUB, LANES), jnp.float32),
    ],
    compiler_params=pltpu.CompilerParams(
        needs_layout_passes=False, use_tc_tiling_on_sc=True),
)
def _sc_router(logits_hbm, bias_hbm, out_hbm, logits_v, bias_v, out_v):
    _sc_router_body(logits_hbm, bias_hbm, out_hbm, logits_v, bias_v, out_v)


def kernel(hidden_states, expert_bias, W):
    x = hidden_states.reshape(-1, D)
    logits = _tc_logits(x, W.T)
    packed = _sc_router(logits, expert_bias)
    top_scores = packed[:, :K]
    sel = lax.bitcast_convert_type(packed[:, K:LANES], jnp.int32)
    return logits, top_scores, sel

# --- scband reference (transcript-rebuilt; emitter-appended) ---
"""Pipeline reference for scband-afmoe-token-choice-router-38422777430200 (READ-ONLY COPY).

The authoritative reference and input builder live on the scoring server;
editing this copy changes nothing except your own understanding.
"""

import jax, jax.numpy as jnp
import numpy as np

B, S, D, E, K = 4, 8192, 4096, 64, 8
ROUTE_SCALE = 2.5


def setup_inputs(seed: int = 0) -> dict:
    key = jax.random.key(seed)
    k1, k2, k3 = jax.random.split(key, 3)
    hidden_states = jax.random.normal(k1, (B, S, D), dtype=jnp.float32)
    expert_bias = jax.random.normal(k2, (E,), dtype=jnp.float32) * 0.01
    W = jax.random.normal(k3, (E, D), dtype=jnp.float32) * (1.0 / np.sqrt(D))
    return {"hidden_states": hidden_states, "expert_bias": expert_bias, "W": W}


def reference(hidden_states, expert_bias, W):
    hidden_dim = hidden_states.shape[-1]
    x = hidden_states.reshape(-1, hidden_dim)
    router_logits = (x @ W.T).astype(jnp.float32)
    scores = jax.nn.sigmoid(router_logits)
    biased = scores + expert_bias[None, :]
    _, selected_experts = jax.lax.top_k(biased, K)
    top_scores = jnp.take_along_axis(scores, selected_experts, axis=1)
    denominator = jnp.sum(top_scores, axis=-1, keepdims=True) + 1e-20
    top_scores = top_scores / denominator
    top_scores = top_scores * ROUTE_SCALE
    return (router_logits, top_scores, selected_experts)

if __name__ == "__main__":
    import jax
    _d = setup_inputs()
    print(jax.jit(kernel)(*tuple(_d.values())))

</pallas_src>

<mosaic_0001>
#map = affine_map<(d0, d1) -> (0, 0)>
#map1 = affine_map<(d0, d1) -> (0)>
module attributes {stable_mosaic.version = 14 : i64} {
  func.func @_sc_router(%arg0: i32, %arg1: i32, %arg2: memref<32768x64xf32, #tpu.memory_space<hbm>>, %arg3: memref<64xf32, #tpu.memory_space<hbm>>, %arg4: memref<32768x16xf32, #tpu.memory_space<hbm>>, %arg5: memref<256x64xf32, #tpu.memory_space<vmem>>, %arg6: memref<64xf32, #tpu.memory_space<vmem>>, %arg7: memref<256x16xf32, #tpu.memory_space<vmem>>) attributes {dimension_semantics = [#tpu.dimension_semantics<core_parallel>, #tpu.dimension_semantics<subcore_parallel>], iteration_bounds = array<i64: 2, 16>, scalar_prefetch = 0 : i64, scratch_operands = 3 : i64, tpu.core_type = #tpu.core_type<sc_vector_subcore>, window_params = [{transform_indices = #map}, {transform_indices = #map1}, {transform_indices = #map}]} {
    %mul3A = arith.constant 2 : i32
    %mul3A_0 = arith.muli %arg1, %mul3A : i32
    %add3A = arith.addi %mul3A_0, %arg0 : i32
    "tpu.region"() ({
      %run_scoped3A = tpu.sem_alloc : memref<!tpu.dma_semaphore, #tpu.memory_space<semaphore_mem>>
      tpu.enqueue_dma source(%arg3 : memref<64xf32, #tpu.memory_space<hbm>>) target(%arg6 : memref<64xf32, #tpu.memory_space<vmem>>) target_semaphore(%run_scoped3A : memref<!tpu.dma_semaphore, #tpu.memory_space<semaphore_mem>>)
      tpu.wait_dma2 semaphore(%run_scoped3A : memref<!tpu.dma_semaphore, #tpu.memory_space<semaphore_mem>>) src(%arg3 : memref<64xf32, #tpu.memory_space<hbm>>) dst(%arg6 : memref<64xf32, #tpu.memory_space<vmem>>)
      tpu.yield
    }) : () -> ()
    %iota3A = tpu.iota {dimensions = array<i32: 0>} : vector<16xi32>
    %lt3A = arith.constant 8 : i32
    %lt3A_1 = vector.broadcast %lt3A : i32 to vector<16xi32>
    %lt3A_2 = arith.cmpi slt, %iota3A, %lt3A_1 : vector<16xi32>
    %scan3A = arith.constant 0 : i32
    %scan3A_3 = arith.constant 0 : i32
    %scan3A_4 = arith.constant 4 : i32
    %scan3A_5 = arith.addi %scan3A_3, %scan3A_4 : i32
    %scan3A_6 = arith.constant 1 : i32
    scf.for %scan3A_8 = %scan3A_3 to %scan3A_5 step %scan3A_6  : i32 {
      %mul3A_9 = arith.constant 1024 : i32
      %mul3A_10 = arith.muli %add3A, %mul3A_9 : i32
      %mul3A_11 = arith.constant 256 : i32
      %mul3A_12 = arith.muli %scan3A_8, %mul3A_11 : i32
      %add3A_13 = arith.addi %mul3A_10, %mul3A_12 : i32
      "tpu.region"() ({
        %run_scoped3A = tpu.sem_alloc : memref<!tpu.dma_semaphore, #tpu.memory_space<semaphore_mem>>
        %dma_start3A = arith.constant 0 : i32
        %dma_start3A_16 = tpu.memref_slice %arg2[%add3A_13, %dma_start3A] : memref<32768x64xf32, #tpu.memory_space<hbm>> -> memref<256x64xf32, #tpu.memory_space<hbm>>
        %dma_start3A_17 = arith.constant 0 : i32
        %dma_start3A_18 = tpu.memref_slice %arg2[%add3A_13, %dma_start3A_17] : memref<32768x64xf32, #tpu.memory_space<hbm>> -> memref<256x64xf32, #tpu.memory_space<hbm>>
        tpu.enqueue_dma source(%dma_start3A_18 : memref<256x64xf32, #tpu.memory_space<hbm>>) target(%arg5 : memref<256x64xf32, #tpu.memory_space<vmem>>) target_semaphore(%run_scoped3A : memref<!tpu.dma_semaphore, #tpu.memory_space<semaphore_mem>>)
        %dma_wait3A = arith.constant 0 : i32
        %dma_wait3A_19 = tpu.memref_slice %arg2[%add3A_13, %dma_wait3A] : memref<32768x64xf32, #tpu.memory_space<hbm>> -> memref<256x64xf32, #tpu.memory_space<hbm>>
        %dma_wait3A_20 = arith.constant 0 : i32
        %dma_wait3A_21 = tpu.memref_slice %arg2[%add3A_13, %dma_wait3A_20] : memref<32768x64xf32, #tpu.memory_space<hbm>> -> memref<256x64xf32, #tpu.memory_space<hbm>>
        tpu.wait_dma2 semaphore(%run_scoped3A : memref<!tpu.dma_semaphore, #tpu.memory_space<semaphore_mem>>) src(%dma_wait3A_21 : memref<256x64xf32, #tpu.memory_space<hbm>>) dst(%arg5 : memref<256x64xf32, #tpu.memory_space<vmem>>)
        tpu.yield
      }) : () -> ()
      %parallel_loop3A = arith.constant 0 : i32
      %parallel_loop3A_14 = arith.constant 256 : i32
      %parallel_loop3A_15 = arith.constant 1 : i32
      scf.for %parallel_loop3A_16 = %parallel_loop3A to %parallel_loop3A_14 step %parallel_loop3A_15  : i32 {
        %parallel_loop3A_17 = arith.index_cast %parallel_loop3A_16 : i32 to index
        %parallel_loop3A_18 = arith.constant 0 : index
        %parallel_loop3A_19 = tpu.vector_load %arg5[%parallel_loop3A_17, %parallel_loop3A_18] {strides = array<i32>} : memref<256x64xf32, #tpu.memory_space<vmem>>, vector<16xf32>,
        %parallel_loop3A_20 = arith.constant 0.000000e+00 : f32
        %parallel_loop3A_21 = vector.broadcast %parallel_loop3A_20 : f32 to vector<16xf32>
        %parallel_loop3A_22 = arith.subf %parallel_loop3A_21, %parallel_loop3A_19 : vector<16xf32>
        %parallel_loop3A_23 = math.exp %parallel_loop3A_22 : vector<16xf32>
        %parallel_loop3A_24 = arith.constant 1.000000e+00 : f32
        %parallel_loop3A_25 = vector.broadcast %parallel_loop3A_24 : f32 to vector<16xf32>
        %parallel_loop3A_26 = arith.addf %parallel_loop3A_25, %parallel_loop3A_23 : vector<16xf32>
        %parallel_loop3A_27 = arith.constant 1.000000e+00 : f32
        %parallel_loop3A_28 = vector.broadcast %parallel_loop3A_27 : f32 to vector<16xf32>
        %parallel_loop3A_29 = arith.divf %parallel_loop3A_28, %parallel_loop3A_26 : vector<16xf32>
        %parallel_loop3A_30 = arith.constant 0 : index
        %parallel_loop3A_31 = tpu.vector_load %arg6[%parallel_loop3A_30] {strides = array<i32>} : memref<64xf32, #tpu.memory_space<vmem>>, vector<16xf32>,
        %parallel_loop3A_32 = arith.addf %parallel_loop3A_29, %parallel_loop3A_31 : vector<16xf32>
        %parallel_loop3A_33 = arith.constant 0 : i32
        %parallel_loop3A_34 = vector.broadcast %parallel_loop3A_33 : i32 to vector<16xi32>
        %parallel_loop3A_35 = arith.addi %iota3A, %parallel_loop3A_34 : vector<16xi32>
        %parallel_loop3A_36 = arith.constant dense<true> : vector<16xi1>
        %parallel_loop3A_37, %parallel_loop3A_38, %parallel_loop3A_39 = tpu.sort %parallel_loop3A_32, %parallel_loop3A_35 masked %parallel_loop3A_36 {descending = true} : (vector<16xf32>, vector<16xi32>, vector<16xi1>) -> (vector<16xi1>, vector<16xf32>, vector<16xi32>)
        %parallel_loop3A_40 = arith.index_cast %parallel_loop3A_16 : i32 to index
        %parallel_loop3A_41 = arith.constant 16 : index
        %parallel_loop3A_42 = tpu.vector_load %arg5[%parallel_loop3A_40, %parallel_loop3A_41] {strides = array<i32>} : memref<256x64xf32, #tpu.memory_space<vmem>>, vector<16xf32>,
        %parallel_loop3A_43 = arith.constant 0.000000e+00 : f32
        %parallel_loop3A_44 = vector.broadcast %parallel_loop3A_43 : f32 to vector<16xf32>
        %parallel_loop3A_45 = arith.subf %parallel_loop3A_44, %parallel_loop3A_42 : vector<16xf32>
        %parallel_loop3A_46 = math.exp %parallel_loop3A_45 : vector<16xf32>
        %parallel_loop3A_47 = arith.constant 1.000000e+00 : f32
        %parallel_loop3A_48 = vector.broadcast %parallel_loop3A_47 : f32 to vector<16xf32>
        %parallel_loop3A_49 = arith.addf %parallel_loop3A_48, %parallel_loop3A_46 : vector<16xf32>
        %parallel_loop3A_50 = arith.constant 1.000000e+00 : f32
        %parallel_loop3A_51 = vector.broadcast %parallel_loop3A_50 : f32 to vector<16xf32>
        %parallel_loop3A_52 = arith.divf %parallel_loop3A_51, %parallel_loop3A_49 : vector<16xf32>
        %parallel_loop3A_53 = arith.constant 16 : index
        %parallel_loop3A_54 = tpu.vector_load %arg6[%parallel_loop3A_53] {strides = array<i32>} : memref<64xf32, #tpu.memory_space<vmem>>, vector<16xf32>,
        %parallel_loop3A_55 = arith.addf %parallel_loop3A_52, %parallel_loop3A_54 : vector<16xf32>
        %parallel_loop3A_56 = arith.constant 16 : i32
        %parallel_loop3A_57 = vector.broadcast %parallel_loop3A_56 : i32 to vector<16xi32>
        %parallel_loop3A_58 = arith.addi %iota3A, %parallel_loop3A_57 : vector<16xi32>
        %parallel_loop3A_59 = arith.constant dense<true> : vector<16xi1>
        %parallel_loop3A_60, %parallel_loop3A_61, %parallel_loop3A_62 = tpu.sort %parallel_loop3A_55, %parallel_loop3A_58 masked %parallel_loop3A_59 {descending = true} : (vector<16xf32>, vector<16xi32>, vector<16xi1>) -> (vector<16xi1>, vector<16xf32>, vector<16xi32>)
        %parallel_loop3A_63 = arith.index_cast %parallel_loop3A_16 : i32 to index
        %parallel_loop3A_64 = arith.constant 32 : index
        %parallel_loop3A_65 = tpu.vector_load %arg5[%parallel_loop3A_63, %parallel_loop3A_64] {strides = array<i32>} : memref<256x64xf32, #tpu.memory_space<vmem>>, vector<16xf32>,
        %parallel_loop3A_66 = arith.constant 0.000000e+00 : f32
        %parallel_loop3A_67 = vector.broadcast %parallel_loop3A_66 : f32 to vector<16xf32>
        %parallel_loop3A_68 = arith.subf %parallel_loop3A_67, %parallel_loop3A_65 : vector<16xf32>
        %parallel_loop3A_69 = math.exp %parallel_loop3A_68 : vector<16xf32>
        %parallel_loop3A_70 = arith.constant 1.000000e+00 : f32
        %parallel_loop3A_71 = vector.broadcast %parallel_loop3A_70 : f32 to vector<16xf32>
        %parallel_loop3A_72 = arith.addf %parallel_loop3A_71, %parallel_loop3A_69 : vector<16xf32>
        %parallel_loop3A_73 = arith.constant 1.000000e+00 : f32
        %parallel_loop3A_74 = vector.broadcast %parallel_loop3A_73 : f32 to vector<16xf32>
        %parallel_loop3A_75 = arith.divf %parallel_loop3A_74, %parallel_loop3A_72 : vector<16xf32>
        %parallel_loop3A_76 = arith.constant 32 : index
        %parallel_loop3A_77 = tpu.vector_load %arg6[%parallel_loop3A_76] {strides = array<i32>} : memref<64xf32, #tpu.memory_space<vmem>>, vector<16xf32>,
        %parallel_loop3A_78 = arith.addf %parallel_loop3A_75, %parallel_loop3A_77 : vector<16xf32>
        %parallel_loop3A_79 = arith.constant 32 : i32
        %parallel_loop3A_80 = vector.broadcast %parallel_loop3A_79 : i32 to vector<16xi32>
        %parallel_loop3A_81 = arith.addi %iota3A, %parallel_loop3A_80 : vector<16xi32>
        %parallel_loop3A_82 = arith.constant dense<true> : vector<16xi1>
        %parallel_loop3A_83, %parallel_loop3A_84, %parallel_loop3A_85 = tpu.sort %parallel_loop3A_78, %parallel_loop3A_81 masked %parallel_loop3A_82 {descending = true} : (vector<16xf32>, vector<16xi32>, vector<16xi1>) -> (vector<16xi1>, vector<16xf32>, vector<16xi32>)
        %parallel_loop3A_86 = arith.index_cast %parallel_loop3A_16 : i32 to index
        %parallel_loop3A_87 = arith.constant 48 : index
        %parallel_loop3A_88 = tpu.vector_load %arg5[%parallel_loop3A_86, %parallel_loop3A_87] {strides = array<i32>} : memref<256x64xf32, #tpu.memory_space<vmem>>, vector<16xf32>,
        %parallel_loop3A_89 = arith.constant 0.000000e+00 : f32
        %parallel_loop3A_90 = vector.broadcast %parallel_loop3A_89 : f32 to vector<16xf32>
        %parallel_loop3A_91 = arith.subf %parallel_loop3A_90, %parallel_loop3A_88 : vector<16xf32>
        %parallel_loop3A_92 = math.exp %parallel_loop3A_91 : vector<16xf32>
        %parallel_loop3A_93 = arith.constant 1.000000e+00 : f32
        %parallel_loop3A_94 = vector.broadcast %parallel_loop3A_93 : f32 to vector<16xf32>
        %parallel_loop3A_95 = arith.addf %parallel_loop3A_94, %parallel_loop3A_92 : vector<16xf32>
        %parallel_loop3A_96 = arith.constant 1.000000e+00 : f32
        %parallel_loop3A_97 = vector.broadcast %parallel_loop3A_96 : f32 to vector<16xf32>
        %parallel_loop3A_98 = arith.divf %parallel_loop3A_97, %parallel_loop3A_95 : vector<16xf32>
        %parallel_loop3A_99 = arith.constant 48 : index
        %parallel_loop3A_100 = tpu.vector_load %arg6[%parallel_loop3A_99] {strides = array<i32>} : memref<64xf32, #tpu.memory_space<vmem>>, vector<16xf32>,
        %parallel_loop3A_101 = arith.addf %parallel_loop3A_98, %parallel_loop3A_100 : vector<16xf32>
        %parallel_loop3A_102 = arith.constant 48 : i32
        %parallel_loop3A_103 = vector.broadcast %parallel_loop3A_102 : i32 to vector<16xi32>
        %parallel_loop3A_104 = arith.addi %iota3A, %parallel_loop3A_103 : vector<16xi32>
        %parallel_loop3A_105 = arith.constant dense<true> : vector<16xi1>
        %parallel_loop3A_106, %parallel_loop3A_107, %parallel_loop3A_108 = tpu.sort %parallel_loop3A_101, %parallel_loop3A_104 masked %parallel_loop3A_105 {descending = true} : (vector<16xf32>, vector<16xi32>, vector<16xi1>) -> (vector<16xi1>, vector<16xf32>, vector<16xi32>)
        %parallel_loop3A_109 = arith.constant 15 : i32
        %parallel_loop3A_110 = vector.broadcast %parallel_loop3A_109 : i32 to vector<16xi32>
        %parallel_loop3A_111 = tpu.iota {dimensions = array<i32: 0>} : vector<16xi32>
        %parallel_loop3A_112 = arith.subi %parallel_loop3A_110, %parallel_loop3A_111 : vector<16xi32>
        %parallel_loop3A_113 = tpu.dynamic_gather %parallel_loop3A_61[%parallel_loop3A_112] in [0] : vector<16xf32>, vector<16xi32> -> vector<16xf32>
        %parallel_loop3A_114 = arith.constant 15 : i32
        %parallel_loop3A_115 = vector.broadcast %parallel_loop3A_114 : i32 to vector<16xi32>
        %parallel_loop3A_116 = tpu.iota {dimensions = array<i32: 0>} : vector<16xi32>
        %parallel_loop3A_117 = arith.subi %parallel_loop3A_115, %parallel_loop3A_116 : vector<16xi32>
        %parallel_loop3A_118 = tpu.dynamic_gather %parallel_loop3A_62[%parallel_loop3A_117] in [0] : vector<16xi32>, vector<16xi32> -> vector<16xi32>
        %parallel_loop3A_119 = arith.cmpf oge, %parallel_loop3A_38, %parallel_loop3A_113 : vector<16xf32>
        %parallel_loop3A_120 = arith.select %parallel_loop3A_119, %parallel_loop3A_38, %parallel_loop3A_113 : vector<16xi1>, vector<16xf32>
        %parallel_loop3A_121 = arith.select %parallel_loop3A_119, %parallel_loop3A_39, %parallel_loop3A_118 : vector<16xi1>, vector<16xi32>
        %parallel_loop3A_122 = arith.constant dense<true> : vector<16xi1>
        %parallel_loop3A_123, %parallel_loop3A_124, %parallel_loop3A_125 = tpu.sort %parallel_loop3A_120, %parallel_loop3A_121 masked %parallel_loop3A_122 {descending = true} : (vector<16xf32>, vector<16xi32>, vector<16xi1>) -> (vector<16xi1>, vector<16xf32>, vector<16xi32>)
        %parallel_loop3A_126 = arith.constant 15 : i32
        %parallel_loop3A_127 = vector.broadcast %parallel_loop3A_126 : i32 to vector<16xi32>
        %parallel_loop3A_128 = tpu.iota {dimensions = array<i32: 0>} : vector<16xi32>
        %parallel_loop3A_129 = arith.subi %parallel_loop3A_127, %parallel_loop3A_128 : vector<16xi32>
        %parallel_loop3A_130 = tpu.dynamic_gather %parallel_loop3A_107[%parallel_loop3A_129] in [0] : vector<16xf32>, vector<16xi32> -> vector<16xf32>
        %parallel_loop3A_131 = arith.constant 15 : i32
        %parallel_loop3A_132 = vector.broadcast %parallel_loop3A_131 : i32 to vector<16xi32>
        %parallel_loop3A_133 = tpu.iota {dimensions = array<i32: 0>} : vector<16xi32>
        %parallel_loop3A_134 = arith.subi %parallel_loop3A_132, %parallel_loop3A_133 : vector<16xi32>
        %parallel_loop3A_135 = tpu.dynamic_gather %parallel_loop3A_108[%parallel_loop3A_134] in [0] : vector<16xi32>, vector<16xi32> -> vector<16xi32>
        %parallel_loop3A_136 = arith.cmpf oge, %parallel_loop3A_84, %parallel_loop3A_130 : vector<16xf32>
        %parallel_loop3A_137 = arith.select %parallel_loop3A_136, %parallel_loop3A_84, %parallel_loop3A_130 : vector<16xi1>, vector<16xf32>
        %parallel_loop3A_138 = arith.select %parallel_loop3A_136, %parallel_loop3A_85, %parallel_loop3A_135 : vector<16xi1>, vector<16xi32>
        %parallel_loop3A_139 = arith.constant dense<true> : vector<16xi1>
        %parallel_loop3A_140, %parallel_loop3A_141, %parallel_loop3A_142 = tpu.sort %parallel_loop3A_137, %parallel_loop3A_138 masked %parallel_loop3A_139 {descending = true} : (vector<16xf32>, vector<16xi32>, vector<16xi1>) -> (vector<16xi1>, vector<16xf32>, vector<16xi32>)
        %parallel_loop3A_143 = arith.constant 15 : i32
        %parallel_loop3A_144 = vector.broadcast %parallel_loop3A_143 : i32 to vector<16xi32>
        %parallel_loop3A_145 = tpu.iota {dimensions = array<i32: 0>} : vector<16xi32>
        %parallel_loop3A_146 = arith.subi %parallel_loop3A_144, %parallel_loop3A_145 : vector<16xi32>
        %parallel_loop3A_147 = tpu.dynamic_gather %parallel_loop3A_141[%parallel_loop3A_146] in [0] : vector<16xf32>, vector<16xi32> -> vector<16xf32>
        %parallel_loop3A_148 = arith.constant 15 : i32
        %parallel_loop3A_149 = vector.broadcast %parallel_loop3A_148 : i32 to vector<16xi32>
        %parallel_loop3A_150 = tpu.iota {dimensions = array<i32: 0>} : vector<16xi32>
        %parallel_loop3A_151 = arith.subi %parallel_loop3A_149, %parallel_loop3A_150 : vector<16xi32>
        %parallel_loop3A_152 = tpu.dynamic_gather %parallel_loop3A_142[%parallel_loop3A_151] in [0] : vector<16xi32>, vector<16xi32> -> vector<16xi32>
        %parallel_loop3A_153 = arith.cmpf oge, %parallel_loop3A_124, %parallel_loop3A_147 : vector<16xf32>
        %parallel_loop3A_154 = arith.select %parallel_loop3A_153, %parallel_loop3A_124, %parallel_loop3A_147 : vector<16xi1>, vector<16xf32>
        %parallel_loop3A_155 = arith.select %parallel_loop3A_153, %parallel_loop3A_125, %parallel_loop3A_152 : vector<16xi1>, vector<16xi32>
        %parallel_loop3A_156 = arith.constant dense<true> : vector<16xi1>
        %parallel_loop3A_157, %parallel_loop3A_158, %parallel_loop3A_159 = tpu.sort %parallel_loop3A_154, %parallel_loop3A_155 masked %parallel_loop3A_156 {descending = true} : (vector<16xf32>, vector<16xi32>, vector<16xi1>) -> (vector<16xi1>, vector<16xf32>, vector<16xi32>)
        %parallel_loop3A_160 = tpu.vector_load_idx %arg6[%parallel_loop3A_159] : memref<64xf32, #tpu.memory_space<vmem>>[vector<16xi32>], vector<16xf32>,
        %parallel_loop3A_161 = arith.subf %parallel_loop3A_158, %parallel_loop3A_160 : vector<16xf32>
        %parallel_loop3A_162 = arith.constant 0.000000e+00 : f32
        %parallel_loop3A_163 = vector.broadcast %parallel_loop3A_162 : f32 to vector<16xf32>
        %parallel_loop3A_164 = arith.select %lt3A_2, %parallel_loop3A_161, %parallel_loop3A_163 : vector<16xi1>, vector<16xf32>
        %parallel_loop3A_165 = arith.constant true
        %parallel_loop3A_166 = vector.broadcast %parallel_loop3A_165 : i1 to vector<16xi1>
        %parallel_loop3A_167 = tpu.scan <sum>, %parallel_loop3A_164 masked %parallel_loop3A_166 : vector<16xf32>, vector<16xi1> -> vector<16xf32>
        %parallel_loop3A_168 = vector.extract %parallel_loop3A_167[15] : f32 from vector<16xf32>
        %parallel_loop3A_169 = arith.constant 9.99999968E-21 : f32
        %parallel_loop3A_170 = arith.addf %parallel_loop3A_168, %parallel_loop3A_169 : f32
        %parallel_loop3A_171 = vector.broadcast %parallel_loop3A_170 : f32 to vector<16xf32>
        %parallel_loop3A_172 = arith.constant 2.500000e+00 : f32
        %parallel_loop3A_173 = vector.broadcast %parallel_loop3A_172 : f32 to vector<16xf32>
        %parallel_loop3A_174 = arith.mulf %parallel_loop3A_161, %parallel_loop3A_173 : vector<16xf32>
        %parallel_loop3A_175 = arith.divf %parallel_loop3A_174, %parallel_loop3A_171 : vector<16xf32>
        %parallel_loop3A_176 = arith.constant 8 : i32
        %parallel_loop3A_177 = vector.broadcast %parallel_loop3A_176 : i32 to vector<16xi32>
        %parallel_loop3A_178 = arith.xori %iota3A, %parallel_loop3A_177 : vector<16xi32>
        %parallel_loop3A_179 = arith.constant dense<true> : vector<16xi1>
        %parallel_loop3A_180 = arith.constant -2147483648 : i32
        %parallel_loop3A_181 = vector.broadcast %parallel_loop3A_180 : i32 to vector<16xi32>
        %parallel_loop3A_182 = arith.xori %parallel_loop3A_178, %parallel_loop3A_181 : vector<16xi32>
        %parallel_loop3A_183, %parallel_loop3A_184, %parallel_loop3A_185 = tpu.sort %parallel_loop3A_182, %parallel_loop3A_159 masked %parallel_loop3A_179 : (vector<16xi32>, vector<16xi32>, vector<16xi1>) -> (vector<16xi1>, vector<16xi32>, vector<16xi32>)
        %parallel_loop3A_186 = arith.xori %parallel_loop3A_184, %parallel_loop3A_181 : vector<16xi32>
        %parallel_loop3A_187 = vector.bitcast %parallel_loop3A_185 : vector<16xi32> to vector<16xf32>
        %parallel_loop3A_188 = arith.select %lt3A_2, %parallel_loop3A_175, %parallel_loop3A_187 : vector<16xi1>, vector<16xf32>
        %parallel_loop3A_189 = arith.index_cast %parallel_loop3A_16 : i32 to index
        %parallel_loop3A_190 = arith.constant 0 : index
        %parallel_loop3A_191 = tpu.vector_load %arg7[%parallel_loop3A_189, %parallel_loop3A_190] {strides = array<i32>} : memref<256x16xf32, #tpu.memory_space<vmem>>, vector<16xf32>,
        tpu.vector_store %arg7[%parallel_loop3A_189, %parallel_loop3A_190], %parallel_loop3A_188 {strides = array<i32>} : memref<256x16xf32, #tpu.memory_space<vmem>>, vector<16xf32>,
      } {sc.loop_unroll_factor = 8 : i64, sc.parallel_access}
      "tpu.region"() ({
        %run_scoped3A = tpu.sem_alloc : memref<!tpu.dma_semaphore, #tpu.memory_space<semaphore_mem>>
        %dma_start3A = arith.constant 0 : i32
        %dma_start3A_16 = tpu.memref_slice %arg4[%add3A_13, %dma_start3A] : memref<32768x16xf32, #tpu.memory_space<hbm>> -> memref<256x16xf32, #tpu.memory_space<hbm>>
        %dma_start3A_17 = arith.constant 0 : i32
        %dma_start3A_18 = tpu.memref_slice %arg4[%add3A_13, %dma_start3A_17] : memref<32768x16xf32, #tpu.memory_space<hbm>> -> memref<256x16xf32, #tpu.memory_space<hbm>>
        tpu.enqueue_dma source(%arg7 : memref<256x16xf32, #tpu.memory_space<vmem>>) target(%dma_start3A_18 : memref<256x16xf32, #tpu.memory_space<hbm>>) target_semaphore(%run_scoped3A : memref<!tpu.dma_semaphore, #tpu.memory_space<semaphore_mem>>)
        %dma_wait3A = arith.constant 0 : i32
        %dma_wait3A_19 = tpu.memref_slice %arg4[%add3A_13, %dma_wait3A] : memref<32768x16xf32, #tpu.memory_space<hbm>> -> memref<256x16xf32, #tpu.memory_space<hbm>>
        %dma_wait3A_20 = arith.constant 0 : i32
        %dma_wait3A_21 = tpu.memref_slice %arg4[%add3A_13, %dma_wait3A_20] : memref<32768x16xf32, #tpu.memory_space<hbm>> -> memref<256x16xf32, #tpu.memory_space<hbm>>
        tpu.wait_dma2 semaphore(%run_scoped3A : memref<!tpu.dma_semaphore, #tpu.memory_space<semaphore_mem>>) src(%arg7 : memref<256x16xf32, #tpu.memory_space<vmem>>) dst(%dma_wait3A_21 : memref<256x16xf32, #tpu.memory_space<hbm>>)
        tpu.yield
      }) : () -> ()
    }
    %scan3A_7 = arith.constant 4 : i32
    return
  }
}

module attributes {stable_mosaic.version = 14 : i64} {
  func.func @_mm_body(%arg0: i32, %arg1: memref<512x4096xf32, #tpu.memory_space<vmem>>, %arg2: memref<4096x64xf32, #tpu.memory_space<vmem>>, %arg3: memref<512x64xf32, #tpu.memory_space<vmem>>) attributes {dimension_semantics = [#tpu.dimension_semantics<arbitrary>], iteration_bounds = array<i64: 64>, scalar_prefetch = 0 : i64, scratch_operands = 0 : i64, tpu.core_type = #tpu.core_type<tc>, window_params = [{transform_indices = @transform_0, window_bounds = array<i64: 512, 4096>}, {pipeline_mode = #tpu.pipeline_mode<synchronous>, transform_indices = @transform_1, window_bounds = array<i64: 4096, 64>}, {transform_indices = @transform_2, window_bounds = array<i64: 512, 64>}]} {
    %get3A = arith.constant 0 : index
    %get3A_0 = arith.constant 0 : index
    %get3A_1 = vector.load %arg1[%get3A, %get3A_0] : memref<512x4096xf32, #tpu.memory_space<vmem>>, vector<512x4096xf32>
    %get3A_2 = arith.constant 0 : index
    %get3A_3 = arith.constant 0 : index
    %get3A_4 = vector.load %arg2[%get3A_2, %get3A_3] : memref<4096x64xf32, #tpu.memory_space<vmem>>, vector<4096x64xf32>
    %dot_general3A = arith.constant dense<0.000000e+00> : vector<512x64xf32>
    %dot_general3A_5 = tpu.matmul %get3A_1, %get3A_4, %dot_general3A {dimension_numbers = #tpu.dot_dimension_numbers<[1], [0], [0], [1], [0, 0, 1, 1], [], []>, transpose_lhs_hint = false} : vector<512x4096xf32>, vector<4096x64xf32>, vector<512x64xf32> -> vector<512x64xf32>
    %swap3A = arith.constant 0 : index
    %swap3A_6 = arith.constant 0 : index
    %swap3A_7 = vector.load %arg3[%swap3A, %swap3A_6] : memref<512x64xf32, #tpu.memory_space<vmem>>, vector<512x64xf32>
    tpu.vector_store %arg3[%swap3A, %swap3A_6], %dot_general3A_5 {strides = array<i32>} : memref<512x64xf32, #tpu.memory_space<vmem>>, vector<512x64xf32>,
    return
  }
  func.func @transform_0(%arg0: i32) -> (i32, i32) {
    %c0_i32 = arith.constant 0 : i32
    %c0_i32_0 = arith.constant 0 : i32
    return %arg0, %c0_i32 : i32, i32
  }
  func.func @transform_1(%arg0: i32) -> (i32, i32) {
    %c0_i32 = arith.constant 0 : i32
    %c0_i32_0 = arith.constant 0 : i32
    %c0_i32_1 = arith.constant 0 : i32
    return %c0_i32, %c0_i32_0 : i32, i32
  }
  func.func @transform_2(%arg0: i32) -> (i32, i32) {
    %c0_i32 = arith.constant 0 : i32
    %c0_i32_0 = arith.constant 0 : i32
    return %arg0, %c0_i32 : i32, i32
  }
}

</mosaic_0001>

<sc_bundles>
// kernel: kernel.4.cloned.1.call-start
scs
__scs_entry_jumppad:
0x0: {  	(pc) =	sbr.rel $0x88, $3  }
0x1: {  	(tag) =	ssettag $0x0;
	lr =	simm.s32 $0x1  }
0x2: {  	[smem:$0x3F9E] =	sst lr;
	_ =	strace $0xD0000000  }
0x3: {  	_ = 	snop  }
0x4: {  	_ = 	snop  }
0x5: {  	_ = 	snop  }
0x6: {  	_ = 	snop  }
0x7: {  	_ = 	snop  }
__scs_overlays_trampoline_lowered:
0x8: {  	[smem:$0x3FAD] =	sst s0  }
0x9: {  	[smem:$0x3FAE] =	sst s1  }
0xa: {  	[smem:$0x3FAF] =	sst s2  }
0xb: {  	[smem:$0x3FB0] =	sst s3  }
0xc: {  	[smem:$0x3FB1] =	sst s4  }
0xd: {  	[smem:$0x3FB2] =	sst s5  }
0xe: {  	[smem:$0x3FB3] =	sst s6  }
0xf: {  	[smem:$0x3FB4] =	sst s7  }
0x10: {  	[smem:$0x3FB5] =	sst s8  }
0x11: {  	[smem:$0x3FB6] =	sst s9;
	s0 =	simm.s32 @!p0 $0x0  }
0x12: {  	s1 =	sld [smem:$0x3F9C];
	s0 =	simm.s32 @p0 $0x1  }
0x13: {  	[smem:$0x3FB7] =	sst s0;
	s0 =	simm.s32 @!p1 $0x0  }
0x14: {  	s2 =	sld [smem:$0x3F9B];
	s0 =	simm.s32 @p1 $0x1  }
0x15: {  	[smem:$0x3FB8] =	sst s0;
	s0 =	simm.s32 @!p2 $0x0  }
0x16: {  	s3 =	sld [smem:$0x3FDB];
	s0 =	simm.s32 @p2 $0x1  }
0x17: {  	s4 =	simm.s32 $0x1BF5;
	[smem:$0x3FBA] =	sst s0  }
0x18: {  	s0 =	sld [smem:$0x3F9D];
	_ =	swait.ge [sflag:s4], $0x0  }
0x19: {  	s7 =	sld [smem:$0x3F9E]  }
0x1a: {  	s8 =	sadd.s32 $0xFFFFE003, lr  }
0x1b: {  	s9 =	sadd.s32 $0xFFFFFEF7, lr;
	s5 =	simm.s32 $0xFFFFFFFF;
	p2 =	slt.u32 s8, $0xFFFFF086  }
0x1c: {  	p1 =	slt.u32 s9, $0xF7A;
	s5 =	simm.s32 @!p2 $0x0  }
0x1d: {  	s5 =	simm.s32 @p1 $0x1;
	p0 =	seq.s32 s7, s2  }
0x1e: {  	s7 =	smul.u32 @!p0 $0xF7A, s2;
	p2 =	seq.s32 @!p0 s5, $0x0  }
0x1f: {  	s9 =	smul.u32 $0xF7A, s1;
	s8 =	simm.s32 @!p0 $0x1BF5;
	p2 =	por !p2, p0  }
0x20: {  	[sflag:s8] =	ssyncset.s32 @!p0 $0xFFFFF086;
	s6 =	sadd.s32 @!p0 s3, s7;
	s7 =	simm.s32 @!p0 $0x108  }
0x21: {  	s3 =	sadd.s32 s3, s9;
	s6 =	sadd.s32 @!p0 $0x88, s6;
	s7 =	simm.s32 @p2 $0x1082  }
0x22: {  	[simem:s7], [sflag:s8] =	dma.local @!p0 [hbm:s6], $0xF7A  }
0x23: {  	s9 =	sor.u32 $0xD0000000, s2;
	s6 =	simm.s32 $0x108;
	_ =	swait.ge @!p0 [sflag:s8], $0x0  }
0x24: {  	s3 =	sadd.s32 $0x88, s3;
	s6 =	simm.s32 @!p1 $0x1082;
	[sflag:s4] =	ssyncset.s32 $0xFFFFF086  }
0x25: {  	[simem:s6], [sflag:s4] =	dma.local [hbm:s3], $0xF7A  }
0x26: {  	[smem:$0x3F9E] =	sst s1;
	(tag) =	ssettag s2;
	_ =	strace s9  }
0x27: {  	s1 =	sld [smem:$0x3FAE]  }
0x28: {  	s2 =	sld [smem:$0x3FAF]  }
0x29: {  	s4 =	sld [smem:$0x3FB1]  }
0x2a: {  	p0 =	seq.s32 s5, $0x0;
	s5 =	sld [smem:$0x3FB2]  }
0x2b: {  	s6 =	sld [smem:$0x3FB3]  }
0x2c: {  	s7 =	sld [smem:$0x3FB4]  }
0x2d: {  	s3 =	simm.s32 $0x108;
	s8 =	sld [smem:$0x3FB5]  }
0x2e: {  	s3 =	simm.s32 @!p0 $0x1082;
	s9 =	sld [smem:$0x3FB6]  }
0x2f: {  	lr =	sadd.s32 s0, s3;
	s0 =	sld [smem:$0x3FAD]  }
0x30: {  	s3 =	sld [smem:$0x3FB0]  }
0x31: {  	[smem:$0x3FB9] =	sst s10  }
0x32: {  	s10 =	sld [smem:$0x3FB7];
	_ =	sdelay $0x3  }
0x33: {  	p0 =	seq.s32 s10, $0x1;
	s10 =	sld [smem:$0x3FB9];
	_ =	sdelay $0x3  }
0x34: {  	[smem:$0x3FB9] =	sst s10  }
0x35: {  	s10 =	sld [smem:$0x3FB8];
	_ =	sdelay $0x3  }
0x36: {  	p1 =	seq.s32 s10, $0x1;
	s10 =	sld [smem:$0x3FB9];
	_ =	sdelay $0x3  }
0x37: {  	[smem:$0x3FB9] =	sst s10  }
0x38: {  	s10 =	sld [smem:$0x3FBA]  }
0x39: {  	_ = 	snop;
	(pc) =	sbr.ind lr, $3  }
0x3a: {  	_ = 	snop  }
0x3b: {  	_ = 	snop  }
0x3c: {  	p2 =	seq.s32 s10, $0x1;
	s10 =	sld [smem:$0x3FB9]  }
0x3d: {  	_ =	shalt  }
0x3e: {  	_ =	shalt  }
0x3f: {  	_ =	shalt  }
0x40: {  	_ =	shalt  }
0x41: {  	_ =	shalt  }
0x42: {  	_ =	shalt  }
0x43: {  	_ =	shalt  }
0x44: {  	_ =	shalt  }
0x45: {  	_ =	shalt  }
0x46: {  	_ =	shalt  }
0x47: {  	_ =	shalt  }
0x48: {  	_ =	shalt  }
0x49: {  	_ =	shalt  }
0x4a: {  	_ =	shalt  }
0x4b: {  	_ =	shalt  }
0x4c: {  	_ =	shalt  }
0x4d: {  	_ =	shalt  }
0x4e: {  	_ =	shalt  }
0x4f: {  	_ =	shalt  }
0x50: {  	_ =	shalt  }
0x51: {  	_ =	shalt  }
0x52: {  	_ =	shalt  }
0x53: {  	_ =	shalt  }
0x54: {  	_ =	shalt  }
0x55: {  	_ =	shalt  }
0x56: {  	_ =	shalt  }
0x57: {  	_ =	shalt  }
0x58: {  	_ =	shalt  }
0x59: {  	_ =	shalt  }
0x5a: {  	_ =	shalt  }
0x5b: {  	_ =	shalt  }
0x5c: {  	_ =	shalt  }
0x5d: {  	_ =	shalt  }
0x5e: {  	_ =	shalt  }
0x5f: {  	_ =	shalt  }
0x60: {  	_ =	shalt  }
0x61: {  	_ =	shalt  }
0x62: {  	_ =	shalt  }
0x63: {  	_ =	shalt  }
0x64: {  	_ =	shalt  }
0x65: {  	_ =	shalt  }
0x66: {  	_ =	shalt  }
0x67: {  	_ =	shalt  }
0x68: {  	_ =	shalt  }
0x69: {  	_ =	shalt  }
0x6a: {  	_ =	shalt  }
0x6b: {  	_ =	shalt  }
0x6c: {  	_ =	shalt  }
0x6d: {  	_ =	shalt  }
0x6e: {  	_ =	shalt  }
0x6f: {  	_ =	shalt  }
0x70: {  	_ =	shalt  }
0x71: {  	_ =	shalt  }
0x72: {  	_ =	shalt  }
0x73: {  	_ =	shalt  }
0x74: {  	_ =	shalt  }
0x75: {  	_ =	shalt  }
0x76: {  	_ =	shalt  }
0x77: {  	_ =	shalt  }
0x78: {  	_ =	shalt  }
0x79: {  	_ =	shalt  }
0x7a: {  	_ =	shalt  }
0x7b: {  	_ =	shalt  }
0x7c: {  	_ =	shalt  }
0x7d: {  	_ =	shalt  }
0x7e: {  	_ =	shalt  }
0x7f: {  	_ =	shalt  }
0x80: {  	_ =	shalt  }
0x81: {  	_ =	shalt  }
0x82: {  	_ =	shalt  }
0x83: {  	_ =	shalt  }
0x84: {  	_ =	shalt  }
0x85: {  	_ =	shalt  }
0x86: {  	_ =	shalt  }
0x87: {  	_ =	shalt  }
.Lfunc_end0:
.L_simem_size_0:
called_computation_lowered:
.L_overlay_start_0:
0x88: {  	s2 =	sld [smem:$0x3FD9]  }
0x89: {  	s3 =	sld [smem:$0x3FFE];
	_ =	sdelay $0x1  }
0x8a: {  	s1 =	srdreg.scid  }
0x8b: {  	s0 =	sand.u32 $0x1, s1  }
0x8c: {  	s17 =	sshll.u32 s0, $0xA;
	s2 =	sadd.s32 s3, s2  }
0x8d: {  	s2 =	sadd.s32 s2, s17  }
0x8e: {  	[smem:$0x3FC5] =	sst s2  }
0x8f: {  	_ = 	snop  }
0x90: {  	s2 =	sld [smem:$0x3FC8];
	(tm) =	ssettm $0x1  }
0x91: {  	s18 =	sld [smem:$0x3FFB];
	_ =	sdelay $0x3  }
0x92: {  	_ =	strace s18  }
0x93: {  	s3 =	sld [smem:$0x3FFC];
	_ =	sdelay $0x3  }
0x94: {  	_ =	strace s3  }
0x95: {  	s3 =	sld [smem:$0x3FFD];
	_ =	sdelay $0x3  }
0x96: {  	_ =	strace s3  }
0x97: {  	_ =	strace $0x8FFFFFFF  }
0x98: {  	s19 =	sld [smem:$0x3FDB];
	_ =	sdelay $0x1  }
0x99: {  	s4 =	simm.s32 $_scs_section_size  }
0x9a: {  	s5 =	simm.s32 $_size__tile_overlayer_lowered;
	s6 =	simm.s32 $_tile_overlayer_lowered  }
0x9b: {  	s22 =	simm.s32 $0x1BFF;
	s21 =	sshll.u32 s6, $0x1;
	s3 =	sadd.s32 s4, s19  }
0x9c: {  	s7 =	simm.s32 $0x0;
	s20 =	sshll.u32 s5, $0x1;
	s5 =	sadd.s32 s21, s3  }
0x9d: {  	[timem:s7], [sflag:s22] =	dma.local [hbm:s5], s20  }
0x9e: {  	_ =	swait.ge [sflag:s22], s20  }
0x9f: {  	s4 =	ssub.s32 $0x0, s20;
	[sflag:s22] =	ssyncset.done $0x0  }
0xa0: {  	[sflag:s22] =	ssyncadd.s32 s4;
	_ =	sdelay $0x1  }
0xa1: {  	s23 =	simm.s32 $0x1B8B  }
0xa2: {  	_ =	swait.ge [sflag:s23], $0x1  }
0xa3: {  	[sflag:s23] =	ssyncset.done $0x0  }
0xa4: {  	s25 =	simm.s32 $0x1B8E;
	s24 =	sld [smem:$0x3FFE];
	[sflag:s23] =	ssyncadd.s32 $0xFFFFFFFF  }
0xa5: {  	s26 =	simm.s32 $execute0_lowered;
	[smem:$0x3FD2] =	sst s25  }
0xa6: {  	s5 =	sshll.u32 s26, $0x1;
	_ =	strace $0x80000046;
	[dreg:$0x1] =	wrdreg $0xFFFFFFFF  }
0xa7: {  	s28 =	simm.s32 $_size_execute0_lowered;
	s3 =	sadd.s32 s3, s5;
	[dreg:$0x0] =	wrdreg $0x0  }
0xa8: {  	s5 =	sshll.u32 s28, $0x1;
	[dreg:$0x2] =	wrdreg s3  }
0xa9: {  	[dreg:$0x3] =	wrdreg s5  }
0xaa: {  	[dreg:$0x4] =	wrdreg $0xC0  }
0xab: {  	_ =	task [dreg:s7], $0x5FFFF  }
0xac: {  	[dreg:$0x1] =	wrdreg $0xFFFFFFFF  }
0xad: {  	[dreg:$0x0] =	wrdreg $0x60  }
0xae: {  	[dreg:$0x2] =	wrdreg s24  }
0xaf: {  	[dreg:$0x3] =	wrdreg s2  }
0xb0: {  	[dreg:$0x4] =	wrdreg $0x9  }
0xb1: {  	_ =	task.clear_ibuf [dreg:s7], $0x5FFFF;
	_ =	strace $0x90000046  }
0xb2: {  	s29 =	simm.s32 $0x9;
	_ =	strace $0x80000048  }
0xb3: {  	_ =	swait.ge [sflag:s29], $0x1  }
0xb4: {  	[sflag:s29] =	ssyncadd.s32 $0xFFFFFFFF  }
0xb5: {  	_ =	strace $0x90000048  }
0xb6: {  	_ =	sfence  }
0xb7: {  	s30 =	sld [smem:$0x0];
	_ =	sdelay $0x2  }
0xb8: {  	s31 =	sshll.u32 s1, $0xD;
	s1 =	sshrl.u32 s1, $0x2  }
0xb9: {  	s3 =	sand.u32 $0x4000, s31;
	s1 =	sadd.s32 s1, s30  }
0xba: {  	s0 =	sor.u32 s3, s0;
	s1 =	sshll.u32 s1, $0x11  }
0xbb: {  	s0 =	sor.u32 s1, s0  }
0xbc: {  	s0 =	sadd.s32 $0x8F2B, s0  }
0xbd: {  	[sflag:s0] =	ssyncadd.remote.s32 $0x1  }
0xbe: {  	_ =	sfence.sel $0xFFFF  }
0xbf: {  	[dreg:$0x0] =	wrdreg $0xFFFFFFFF;
	(pc) =	sbr.abs _section_cstart, $3  }
0xc0: {  	[dreg:$0x1] =	wrdreg $0xFFFFFFFF  }
0xc1: {  	_ =	task.clear_ibuf [dreg:s7], $0x2FFFF;
	_ =	strace $0x9FFFFFFF  }
0xc2: {  	(tm) =	ssettm $0x7FFFFFFF  }
0xc3: {  	_ =	shalt  }
tec
execute0_lowered:
.L_overlay_start_1:
0x0: {  	(tag) =	ssettag $0x1  }
0x1: {  	v0 =	vimm.s32 $0x80000007;
	vm0 =	vcmask $0x300  }
0x2: {  	v0 =	vsel vm0, $0x80000008, v0;
	vm0 =	vcmask $0x704  }
0x3: {  	v0 =	vsel vm0, $0x80000009, v0;
	vm0 =	vcmask $0xB08  }
0x4: {  	v0 =	vsel vm0, $0x8000000A, v0;
	vm0 =	vcmask $0xF0C  }
0x5: {  	v0 =	vsel vm0, $0x8000000B, v0;
	vm0 =	vcmask $0x1310  }
0x6: {  	v0 =	vsel vm0, $0x8000000C, v0;
	vm0 =	vcmask $0x1714  }
0x7: {  	v0 =	vsel vm0, $0x8000000D, v0;
	vm0 =	vcmask $0x1B18  }
0x8: {  	v0 =	vsel vm0, $0x8000000E, v0;
	vm0 =	vcmask $0x1F1C  }
0x9: {  	s4 =	rddreg [dreg:$0x0];
	v0 =	vsel vm0, $0x8000000F, v0;
	vm0 =	vcmask $0x2320  }
0xa: {  	s1 =	rddreg [dreg:$0x1];
	s2 =	simm.s32 $0x0;
	v1 =	vsel vm0, $0x80000000, v0;
	vm0 =	vcmask $0x2724;
	v0 =	vlaneseq.u32  }
0xb: {  	[smem:$0x7FF] =	sst s2;
	v2 =	vsel vm0, $0x80000001, v1;
	vm0 =	vcmask $0x2B28;
	v1 =	vor.u32 $0x10, v0  }
0xc: {  	s0 =	rddreg [dreg:$0x2];
	s3 =	srdreg.scid;
	_ =	strace $0x80000047;
	v4 =	vmul.u32 $0xFFFFFFFF, v0;
	v3 =	vsel vm0, $0x80000002, v2;
	vm0 =	vcmask $0x2F2C  }
0xd: {  	s9 =	simm.s32 $0x1;
	s10 =	simm.s32 $0x8080;
	s6 =	sand.u32 $0x1, s3;
	v2 =	vor.u32 $0x20, v0;
	[tilespmem:$0x1FFD0] =	vst v1;
	v3 =	vsel vm0, $0x80000003, v3;
	vm0 =	vcmask $0x3330  }
0xe: {  	s11 =	simm.s32 $0x0;
	s3 =	sadd.s32 $0xA00, s4;
	s7 =	ssub.s32 $0x2, s6;
	v4 =	vadd.s32 $0xF, v4;
	[tilespmem:$0x1FFC0] =	vst v2;
	v5 =	vsel vm0, $0x80000004, v3;
	vm0 =	vcmask $0x3734  }
0xf: {  	vm1 =	vcmask $0x3B38;
	s5 =	sadd.s32 $0x80A00, s4;
	s4 =	stileid.u32;
	s8 =	sshrl.u32 s7, $0x1;
	v3 =	vor.u32 $0x30, v0;
	[tilespmem:$0x1FFF0] =	vst v4;
	v5 =	vsel vm0, $0x80000005, v5  }
0x10: {  	s31 =	sshll.u32 s4, $0xF;
	s6 =	sshll.u32 s6, $0xE;
	s7 =	ssub.s32 s7, s8;
	[tilespmem:$0x1FFE0] =	vst v3;
	v51 =	vsel vm1, $0x80000006, v5  }
0x11: {  	s6 =	sor.u32 s6, s31;
	s8 =	simm.s32 $0x8000;
	s7 =	smax.u32 s7, $0x1;
	vm0 =	vmmov $0xff;
	[tilespmem:$0x1FFB0] =	vst v51  }
.LBB2_1:
0x12: {  	[tilespmem:s8], [sflag:$0x1] =	stream.linear.gather [hbm4b:s1+s2], $0x80, $0x38;
	[tilespmem:$0x10080] =	vst v63  }
0x13: {  	_ =	swait.ge [sflag:s9], $0x80  }
0x14: {  	[sflag:s9] =	ssyncset.done $0x0  }
0x15: {  	s12 =	simm.s32 $0x0;
	[sflag:s9] =	ssyncadd.s32 $0xFFFFFF80  }
.LBB2_2:
0x16: {  	s13 =	sshll.u32 s12, $0xC  }
0x17: {  	s13 =	sadd.s32 s6, s13  }
0x18: {  	s14 =	sadd.s32 s3, s13  }
0x19: {  	[tilespmem:s2], [sflag:$0x1] =	stream.linear.gather [hbm4b:s14+s2], $0x8000, $0x38;
	[tilespmem:$0x10080] =	vst v63  }
0x1a: {  	_ =	swait.ge [sflag:s9], $0x8000  }
0x1b: {  	[sflag:s9] =	ssyncset.done $0x0  }
0x1c: {  	s17 =	simm.s32 $0x200;
	[sflag:s9] =	ssyncadd.s32 $0xFFFF8000  }
0x1d: {  	v6 =	vld [tilespmem:s17+$0x1B0]  }
0x1e: {  	v7 =	vld [tilespmem:s17+$0x190]  }
0x1f: {  	v8 =	vld [tilespmem:s17+$0x1A0];
	_ =	sdelay $0x1  }
0x20: {  	v9 =	vld [tilespmem:s17+$0xFFFFFE30]  }
0x21: {  	v10 =	vld [tilespmem:s17+$0x180];
	v6 =	vsub.f32 $0.0e+00, v6  }
0x22: {  	v11 =	vld [tilespmem:s17+$0xFFFFFEB0];
	v7 =	vsub.f32 $0.0e+00, v7  }
0x23: {  	v12 =	vld [tilespmem:s17+$0xFFFFFF30];
	v8 =	vsub.f32 $0.0e+00, v8;
	v6 =	vmul.f32 $1.442695020e+00, v6  }
0x24: {  	v13 =	vld [tilespmem:s17+$0xFFFFFFB0];
	v7 =	vmul.f32 $1.442695020e+00, v7  }
0x25: {  	v14 =	vld [tilespmem:s17+$0x30];
	v9 =	vsub.f32 $0.0e+00, v9;
	v8 =	vmul.f32 $1.442695020e+00, v8;
	(erf) = vpow2.f32 v6  }
0x26: {  	v60 =	vld [tilespmem:s17+$0xB0];
	v10 =	vsub.f32 $0.0e+00, v10;
	(erf) = vpow2.f32 v7  }
0x27: {  	v62 =	vld [tilespmem:s17+$0x130];
	v61 =	vsub.f32 $0.0e+00, v11;
	v9 =	vmul.f32 $1.442695020e+00, v9;
	(erf) = vpow2.f32 v8  }
0x28: {  	v63 =	vsub.f32 $0.0e+00, v12;
	v10 =	vmul.f32 $1.442695020e+00, v10  }
0x29: {  	v5 =	vsub.f32 $0.0e+00, v13;
	v7 =	vmul.f32 $1.442695020e+00, v61;
	(erf) = vpow2.f32 v9  }
0x2a: {  	v32 =	vsub.f32 $0.0e+00, v14;
	v8 =	vmul.f32 $1.442695020e+00, v63;
	(erf) = vpow2.f32 v10  }
0x2b: {  	v33 =	vld [tilespmem:s17+$0xFFFFFE10];
	v6 =	vsub.f32 $0.0e+00, v60;
	v9 =	vmul.f32 $1.442695020e+00, v5;
	(erf) = vpow2.f32 v7  }
0x2c: {  	v34 =	vld [tilespmem:s17+$0xFFFFFE20];
	v11 =	vsub.f32 $0.0e+00, v62;
	v10 =	vmul.f32 $1.442695020e+00, v32;
	(erf) = vpow2.f32 v8  }
0x2d: {  	v35 =	vld [tilespmem:s17+$0xFFFFFE90];
	v6 =	vmul.f32 $1.442695020e+00, v6;
	(erf) = vpow2.f32 v9  }
0x2e: {  	v40 =	vld [tilespmem:s17+$0xFFFFFF90];
	v11 =	vmul.f32 $1.442695020e+00, v11;
	(erf) = vpow2.f32 v10;
	v36 =	vpop (erf)  }
0x2f: {  	v41 =	vld [tilespmem:s17+$0xFFFFFFA0];
	(erf) = vpow2.f32 v6;
	v37 =	vadd.f32 $1.000000000e+00, v36;
	v38 =	vpop (erf)  }
0x30: {  	v42 =	vld [tilespmem:s17+$0x10];
	(erf) = vpow2.f32 v11;
	v10 =	vadd.f32 $1.000000000e+00, v38;
	v39 =	vpop (erf)  }
0x31: {  	v12 =	vld [tilespmem:s17+$0xFFFFFEA0];
	v11 =	vadd.f32 $1.000000000e+00, v39;
	(erf) = vrcp.f32 v37  }
0x32: {  	v25 =	vld [tilespmem:s17+$0x90];
	v15 =	vpop (erf);
	(erf) = vrcp.f32 v10  }
0x33: {  	v13 =	vld [tilespmem:s17+$0xFFFFFF10];
	v7 =	vsub.f32 $0.0e+00, v33;
	v16 =	vpop (erf);
	(erf) = vrcp.f32 v11  }
0x34: {  	v14 =	vld [tilespmem:s17+$0xFFFFFF20];
	v8 =	vsub.f32 $0.0e+00, v34;
	v16 =	vadd.f32 $1.000000000e+00, v16;
	v17 =	vpop (erf)  }
0x35: {  	v18 =	vld [tilespmem:s17+$0x20];
	v26 =	vsub.f32 $0.0e+00, v40;
	v21 =	vmul.f32 $1.442695020e+00, v7;
	v19 =	vpop (erf)  }
0x36: {  	v43 =	vld [tilespmem:$0x8030];
	v12 =	vsub.f32 $0.0e+00, v12;
	v22 =	vmul.f32 $1.442695020e+00, v8;
	(erf) = vrcp.f32 v16;
	v20 =	vpop (erf)  }
0x37: {  	v44 =	vld [tilespmem:$0x8010];
	v47 =	vsub.f32 $0.0e+00, v25;
	v16 =	vsub.f32 $0.0e+00, v35;
	v23 =	vpop (erf)  }
0x38: {  	v45 =	vld [tilespmem:$0x8020];
	v26 =	vmul.f32 $1.442695020e+00, v26;
	v13 =	vsub.f32 $0.0e+00, v13;
	v12 =	vmul.f32 $1.442695020e+00, v12;
	v24 =	vpop (erf)  }
0x39: {  	v25 =	vld [tilespmem:s17+$0xFFFFFE00];
	v14 =	vsub.f32 $0.0e+00, v14;
	v16 =	vmul.f32 $1.442695020e+00, v16;
	(erf) = vpow2.f32 v21;
	v21 =	vpop (erf)  }
0x3a: {  	v46 =	vld [tilespmem:$0x8000];
	v13 =	vmul.f32 $1.442695020e+00, v13;
	(erf) = vpow2.f32 v22;
	v22 =	vpop (erf)  }
0x3b: {  	v27 =	vld [tilespmem:s17+$0xA0];
	v14 =	vmul.f32 $1.442695020e+00, v14;
	(erf) = vpow2.f32 v16;
	v16 =	vadd.f32 v22, v43;
	v22 =	vpop (erf)  }
0x3c: {  	v28 =	vld [tilespmem:s17+$0x110];
	v10 =	vsub.f32 $0.0e+00, v41;
	(erf) = vpow2.f32 v12;
	v12 =	vadd.f32 v22, v44;
	v22 =	vpop (erf)  }
0x3d: {  	v29 =	vld [tilespmem:s17+$0x120];
	v11 =	vsub.f32 $0.0e+00, v42;
	(erf) = vpow2.f32 v13;
	v13 =	vadd.f32 v22, v45;
	(xrf1) =	vsort.dscd.msk.f32 $0xffff, v16, v3  }
0x3e: {  	v25 =	vsub.f32 $0.0e+00, v25;
	v10 =	vmul.f32 $1.442695020e+00, v10;
	v16 =	vld [tilespmem:s17+$0xFFFFFE80];
	(erf) = vpow2.f32 v14;
	(xrf1) =	vsort.dscd.msk.f32 $0xffff, v12, v1  }
0x3f: {  	v11 =	vmul.f32 $1.442695020e+00, v11;
	v14 =	vpop (erf);
	v12 =	vld [tilespmem:s17+$0xFFFFFF00];
	(erf) = vpow2.f32 v26;
	(xrf1) =	vsort.dscd.msk.f32 $0xffff, v13, v2;
	v13 =	vsub.f32 $0.0e+00, v18  }
0x40: {  	v22 =	vsub.f32 $0.0e+00, v27;
	v26 =	vld [tilespmem:s17+$0x0];
	v14 =	vadd.f32 v14, v46;
	(erf) = vpow2.f32 v10  }
0x41: {  	(erf) = vpow2.f32 v11;
	v48 =	vmul.f32 $1.442695020e+00, v13;
	v13 =	vsub.f32 $0.0e+00, v28;
	v28 =	vld [tilespmem:s17+$0x80]  }
0x42: {  	v25 =	vmul.f32 $1.442695020e+00, v25;
	v18 =	vld [tilespmem:s17+$0xFFFFFF80];
	v27 =	vpop (erf)  }
0x43: {  	v10 =	vmul.f32 $1.442695020e+00, v47;
	v22 =	vmul.f32 $1.442695020e+00, v22;
	(xrf1) =	vsort.dscd.msk.f32 $0xffff, v14, v0;
	v14 =	vsub.f32 $0.0e+00, v29;
	v29 =	vpop (erf)  }
0x44: {  	v30 =	vld [tilespmem:s17+$0x100];
	v13 =	vmul.f32 $1.442695020e+00, v13;
	v31 =	vpop (erf);
	(erf) = vpow2.f32 v48  }
0x45: {  	v16 =	vsub.f32 $0.0e+00, v16;
	v14 =	vmul.f32 $1.442695020e+00, v14;
	v49 =	vpop (erf);
	(erf) = vpow2.f32 v10  }
0x46: {  	v12 =	vsub.f32 $0.0e+00, v12;
	v32 =	vpop (erf);
	(erf) = vpow2.f32 v22;
	v22 =	vsub.f32 $0.0e+00, v28  }
0x47: {  	v50 =	vsub.f32 $0.0e+00, v26;
	v16 =	vmul.f32 $1.442695020e+00, v16;
	v18 =	vsub.f32 $0.0e+00, v18;
	v26 =	vpop (erf)  }
0x48: {  	v12 =	vmul.f32 $1.442695020e+00, v12;
	(erf) = vpow2.f32 v13;
	v28 =	vpop (erf)  }
0x49: {  	v18 =	vmul.f32 $1.442695020e+00, v18;
	v13 =	vsub.f32 $0.0e+00, v30;
	(erf) = vpow2.f32 v14;
	v30 =	vpop (erf)  }
0x4a: {  	v14 =	vmul.f32 $1.442695020e+00, v22;
	(erf) = vpow2.f32 v25;
	v22 =	vpop (erf)  }
0x4b: {  	v10 =	vmul.f32 $1.442695020e+00, v50;
	(erf) = vpow2.f32 v16;
	v16, v25, _ =	vpop (xrf1)  }
0x4c: {  	(erf) = vpow2.f32 v12;
	v16 =	vperm.xlane v16, v4;
	v12, v33, _ =	vpop (xrf1)  }
0x4d: {  	(erf) = vpow2.f32 v18;
	v25 =	vperm.xlane v25, v4;
	v18, v34, _ =	vpop (xrf1)  }
0x4e: {  	v15 =	vadd.f32 $1.000000000e+00, v15;
	v35 =	vpop (erf);
	vm1 =	vge.f32 v18, v16  }
0x4f: {  	v13 =	vmul.f32 $1.442695020e+00, v13;
	(erf) = vpow2.f32 v10;
	v54 =	vpop (erf);
	v16 =	vsel vm1, v18, v16  }
0x50: {  	v12 =	vperm.xlane v12, v4;
	(erf) = vpow2.f32 v14;
	v14 =	vpop (erf);
	v18 =	vsel vm1, v34, v25  }
0x51: {  	v52 =	vperm.xlane v33, v4;
	(erf) = vpow2.f32 v13;
	v13 =	vadd.f32 $1.000000000e+00, v19;
	v25, v53, _ =	vpop (xrf1);
	(xrf1) =	vsort.dscd.msk.f32 $0xffff, v16, v18  }
0x52: {  	v17 =	vadd.f32 $1.000000000e+00, v17;
	vm1 =	vge.f32 v25, v12;
	v16 =	vpop (erf)  }
0x53: {  	(erf) = vrcp.f32 v15;
	v12 =	vsel vm1, v25, v12;
	v10 =	vsel vm1, v53, v52;
	v55 =	vpop (erf)  }
0x54: {  	(erf) = vrcp.f32 v17;
	(xrf1) =	vsort.dscd.msk.f32 $0xffff, v12, v10;
	v15 =	vpop (erf)  }
0x55: {  	v12 =	vadd.f32 $1.000000000e+00, v20;
	(erf) = vrcp.f32 v13;
	v13 =	vpop (erf)  }
0x56: {  	v17 =	vadd.f32 $1.000000000e+00, v23;
	v18 =	vpop (erf)  }
0x57: {  	(erf) = vrcp.f32 v12;
	v12 =	vadd.f32 $1.000000000e+00, v24;
	v19 =	vpop (erf)  }
0x58: {  	v20 =	vadd.f32 $1.000000000e+00, v21;
	v21 =	vpop (erf);
	(erf) = vrcp.f32 v17;
	v17 =	vadd.f32 $1.000000000e+00, v27  }
0x59: {  	v23 =	vpop (erf);
	(erf) = vrcp.f32 v12;
	v12 =	vadd.f32 $1.000000000e+00, v29  }
0x5a: {  	v24 =	vpop (erf);
	(erf) = vrcp.f32 v20;
	v20 =	vadd.f32 $1.000000000e+00, v31;
	_ =	sdelay $0x1  }
0x5b: {  	(erf) = vrcp.f32 v17;
	v17 =	vpop (erf)  }
0x5c: {  	v11 =	vadd.f32 $1.000000000e+00, v49;
	v25 =	vadd.f32 $1.000000000e+00, v32;
	(erf) = vrcp.f32 v12;
	v12 =	vpop (erf)  }
0x5d: {  	v26 =	vadd.f32 $1.000000000e+00, v26;
	(erf) = vrcp.f32 v20;
	v20 =	vpop (erf)  }
0x5e: {  	v27 =	vadd.f32 $1.000000000e+00, v28;
	(erf) = vrcp.f32 v11;
	v56, v28, _ =	vpop (xrf1)  }
0x5f: {  	v22 =	vadd.f32 $1.000000000e+00, v22;
	(erf) = vrcp.f32 v25;
	v28 =	vperm.xlane v28, v4  }
0x60: {  	v29 =	vadd.f32 $1.000000000e+00, v30;
	v11 =	vperm.xlane v56, v4;
	v25 =	vpop (erf);
	(erf) = vrcp.f32 v26  }
0x61: {  	v26, v30, _ =	vpop (xrf1);
	(erf) = vrcp.f32 v27  }
0x62: {  	v27 =	vpop (erf);
	vm1 =	vge.f32 v26, v11;
	(erf) = vrcp.f32 v29  }
0x63: {  	v29 =	vadd.f32 $1.000000000e+00, v54;
	v11 =	vsel vm1, v26, v11;
	v26 =	vsel vm1, v30, v28;
	v28 =	vpop (erf)  }
0x64: {  	v31 =	vadd.f32 $1.000000000e+00, v35;
	(erf) = vrcp.f32 v22;
	v22 =	vpop (erf)  }
0x65: {  	v57 =	vadd.f32 $1.000000000e+00, v14;
	v16 =	vadd.f32 $1.000000000e+00, v16;
	(xrf1) =	vsort.dscd.msk.f32 $0xffff, v11, v26;
	v14 =	vpop (erf)  }
0x66: {  	v17 =	vadd.f32 v17, v43;
	(erf) = vrcp.f32 v31;
	v26 =	vpop (erf)  }
0x67: {  	(erf) = vrcp.f32 v29;
	v29 =	vpop (erf)  }
0x68: {  	v10 =	vadd.f32 $1.000000000e+00, v55;
	v15 =	vadd.f32 $1.000000000e+00, v15;
	(xrf1) =	vsort.dscd.msk.f32 $0xffff, v17, v3;
	(erf) = vrcp.f32 v57;
	v58 =	vpop (erf)  }
0x69: {  	v13 =	vadd.f32 $1.000000000e+00, v13;
	(erf) = vrcp.f32 v16;
	v16 =	vpop (erf)  }
0x6a: {  	v30 =	vpop (erf);
	(erf) = vrcp.f32 v10  }
0x6b: {  	v59 =	vadd.f32 $1.000000000e+00, v18;
	v12 =	vadd.f32 v12, v43;
	(erf) = vrcp.f32 v15  }
0x6c: {  	v18 =	vadd.f32 $1.000000000e+00, v19;
	v19 =	vadd.f32 $1.000000000e+00, v21;
	v15 =	vpop (erf);
	(erf) = vrcp.f32 v13  }
0x6d: {  	v20 =	vadd.f32 v20, v43;
	v17 =	vadd.f32 $1.000000000e+00, v23;
	v13 =	vpop (erf);
	(erf) = vrcp.f32 v59  }
0x6e: {  	(xrf1) =	vsort.dscd.msk.f32 $0xffff, v12, v3;
	v60 =	vpop (erf);
	(erf) = vrcp.f32 v18;
	v18 =	vadd.f32 $1.000000000e+00, v24  }
0x6f: {  	v21 =	vadd.f32 v25, v43;
	(xrf1) =	vsort.dscd.msk.f32 $0xffff, v20, v3;
	v20 =	vadd.f32 v28, v43;
	v12 =	vpop (erf)  }
0x70: {  	v23 =	vadd.f32 v27, v43;
	(erf) = vrcp.f32 v19;
	v19 =	vpop (erf)  }
0x71: {  	(xrf1) =	vsort.dscd.msk.f32 $0xffff, v21, v3;
	v21 =	vadd.f32 v22, v43;
	(erf) = vrcp.f32 v17;
	v17 =	vpop (erf)  }
0x72: {  	(xrf1) =	vsort.dscd.msk.f32 $0xffff, v23, v3;
	(erf) = vrcp.f32 v18;
	v18 =	vpop (erf)  }
0x73: {  	v14 =	vadd.f32 v14, v44;
	v22 =	vadd.f32 v26, v45;
	(xrf1) =	vsort.dscd.msk.f32 $0xffff, v20, v3;
	v20, v61, _ =	vpop (xrf1)  }
0x74: {  	v23 =	vadd.f32 v29, v44;
	(xrf1) =	vsort.dscd.msk.f32 $0xffff, v21, v3;
	v24 =	vpop (erf)  }
0x75: {  	v11 =	vadd.f32 v58, v45;
	(xrf1) =	vsort.dscd.msk.f32 $0xffff, v14, v1;
	v21 =	vpop (erf)  }
0x76: {  	v16 =	vadd.f32 v16, v44;
	(xrf1) =	vsort.dscd.msk.f32 $0xffff, v22, v2;
	v8 =	vadd.f32 v24, v45;
	v24, v25, _ =	vpop (xrf1)  }
0x77: {  	v14 =	vadd.f32 v30, v45;
	(xrf1) =	vsort.dscd.msk.f32 $0xffff, v23, v1;
	v22 =	vpop (erf)  }
0x78: {  	v15 =	vadd.f32 v15, v44;
	(xrf1) =	vsort.dscd.msk.f32 $0xffff, v11, v2;
	v23 =	vpop (erf)  }
0x79: {  	(xrf1) =	vsort.dscd.msk.f32 $0xffff, v16, v1;
	v62 =	vpop (erf)  }
0x7a: {  	v13 =	vadd.f32 v13, v45;
	v10 =	vadd.f32 v60, v44;
	(xrf1) =	vsort.dscd.msk.f32 $0xffff, v14, v2;
	v16 =	vpop (erf)  }
0x7b: {  	(xrf1) =	vsort.dscd.msk.f32 $0xffff, v15, v1;
	v7 =	vadd.f32 v18, v44;
	v18 =	vadd.f32 v21, v46;
	v21 =	vld.idx.msk [tilespmem:v61+s8+$0x0], $0xffff;
	v14 =	vpop (erf)  }
0x7c: {  	v12 =	vadd.f32 v12, v45;
	v19 =	vadd.f32 v19, v44;
	(xrf1) =	vsort.dscd.msk.f32 $0xffff, v13, v2;
	v15 =	vpop (erf)  }
0x7d: {  	v17 =	vadd.f32 v17, v45;
	(xrf1) =	vsort.dscd.msk.f32 $0xffff, v10, v1;
	v63 =	vperm.xlane v24, v4  }
0x7e: {  	v24 =	vperm.xlane v25, v4;
	v22 =	vadd.f32 v22, v46;
	v6 =	vadd.f32 v15, v46;
	v13, v15, _ =	vpop (xrf1)  }
0x7f: {  	(xrf1) =	vsort.dscd.msk.f32 $0xffff, v12, v2;
	v23 =	vadd.f32 v23, v46;
	v11 =	vadd.f32 v62, v46;
	v25, v26, _ =	vpop (xrf1)  }
0x80: {  	v12 =	vperm.xlane v13, v4;
	v13 =	vsub.f32 v20, v21;
	v20, v21, _ =	vpop (xrf1);
	(xrf1) =	vsort.dscd.msk.f32 $0xffff, v19, v1  }
0x81: {  	v16 =	vadd.f32 v16, v46;
	v19 =	vperm.xlane v25, v4;
	v25, v27, _ =	vpop (xrf1);
	(xrf1) =	vsort.dscd.msk.f32 $0xffff, v17, v2  }
0x82: {  	v14 =	vadd.f32 v14, v46;
	v17 =	vperm.xlane v26, v4;
	v26, v28, _ =	vpop (xrf1);
	(xrf1) =	vsort.dscd.msk.f32 $0xffff, v7, v1  }
0x83: {  	v36 =	vperm.xlane v21, v4;
	v21 =	vperm.xlane v25, v4;
	v25, v29, _ =	vpop (xrf1);
	(xrf1) =	vsort.dscd.msk.f32 $0xffff, v8, v2  }
0x84: {  	v15 =	vperm.xlane v15, v4;
	v37 =	vperm.xlane v27, v4;
	v27, v30, _ =	vpop (xrf1);
	(xrf1) =	vsort.dscd.msk.f32 $0xffff, v18, v0  }
0x85: {  	v20 =	vperm.xlane v20, v4;
	v18 =	vperm.xlane v28, v4;
	v28, v31, _ =	vpop (xrf1);
	(xrf1) =	vsort.dscd.msk.f32 $0xffff, v22, v0  }
0x86: {  	v22 =	vperm.xlane v27, v4;
	v27 =	vperm.xlane v29, v4;
	vm1 =	vge.f32 v28, v63;
	v29, v38, _ =	vpop (xrf1)  }
0x87: {  	v26 =	vperm.xlane v26, v4;
	(xrf1) =	vsort.dscd.msk.f32 $0xffff, v23, v0;
	v10 =	vsel vm1, v28, v63;
	v28, v39, _ =	vpop (xrf1)  }
0x88: {  	v25 =	vperm.xlane v25, v4;
	v23 =	vnsel vm0, $0x0, v13;
	(xrf1) =	vsort.dscd.msk.f32 $0xffff, v11, v0;
	vm2 =	vge.f32 v28, v12;
	v41, v40, _ =	vpop (xrf1)  }
0x89: {  	v30 =	vperm.xlane v30, v4;
	(xrf2) =	vadd.scan.msk.f32 $0xffff, v23;
	v42 =	vsel vm1, v31, v24;
	v12 =	vsel vm2, v28, v12;
	v24, v28, _ =	vpop (xrf1)  }
0x8a: {  	v29 =	vperm.xlane v29, v4;
	(xrf1) =	vsort.dscd.msk.f32 $0xffff, v16, v0;
	v23 =	vperm.xlane v41, v4;
	v31, v43, _ =	vpop (xrf1)  }
0x8b: {  	v15 =	vsel vm2, v39, v15;
	(xrf1) =	vsort.dscd.msk.f32 $0xffff, v14, v0;
	vm1 =	vge.f32 v24, v19  }
0x8c: {  	v16 =	vsel vm1, v24, v19;
	v19 =	vperm.xlane v31, v4;
	v14 =	vsel vm1, v28, v17;
	v24, v31, _ =	vpop (xrf1)  }
0x8d: {  	v28 =	vperm.xlane v40, v4;
	(xrf1) =	vsort.dscd.msk.f32 $0xffff, v6, v0;
	vm1 =	vge.f32 v24, v20;
	v44, v17, _ =	vpop (xrf1)  }
0x8e: {  	(xrf1) =	vsort.dscd.msk.f32 $0xffff, v10, v42;
	v20 =	vsel vm1, v24, v20;
	v7 =	vsel vm1, v31, v36;
	v10, v11, _ =	vpop (xrf1)  }
0x8f: {  	v24 =	vperm.xlane v38, v4;
	(xrf1) =	vsort.dscd.msk.f32 $0xffff, v12, v15;
	v12, v15, _ =	vpop (xrf1);
	vm1 =	vge.f32 v10, v21  }
0x90: {  	v6 =	vperm.xlane v44, v4;
	v31 =	vperm.xlane v43, v4;
	v45, v46, _ =	vpop (xrf1);
	v10 =	vsel vm1, v10, v21  }
0x91: {  	v8 =	vsel vm1, v11, v37;
	(xrf1) =	vsort.dscd.msk.f32 $0xffff, v16, v14;
	v47, v14, _ =	vpop (xrf1);
	vm1 =	vge.f32 v45, v26  }
0x92: {  	v16 =	vperm.xlane v17, v4;
	(xrf1) =	vsort.dscd.msk.f32 $0xffff, v20, v7;
	v48, v17, _ =	vpop (xrf1);
	v20 =	vsel vm1, v45, v26  }
0x93: {  	v63 =	vperm.xlane v12, v4;
	v18 =	vsel vm1, v46, v18;
	vm1 =	vge.f32 v48, v25;
	v21, v26, _ =	vpop (xrf1)  }
0x94: {  	(xrf1) =	vsort.dscd.msk.f32 $0xffff, v10, v8;
	v7 =	vsel vm1, v48, v25;
	v49 =	vsel vm1, v17, v27;
	v50, v17, _ =	vpop (xrf1)  }
0x95: {  	(xrf1) =	vsort.dscd.msk.f32 $0xffff, v20, v18;
	vm1 =	vge.f32 v21, v22;
	vm2 =	vge.f32 v50, v29  }
0x96: {  	(xrf1) =	vsort.dscd.msk.f32 $0xffff, v7, v49;
	v52 =	vsel vm1, v21, v22;
	v53 =	vsel vm1, v26, v30;
	v18, v20, _ =	vpop (xrf1)  }
0x97: {  	v10 =	vsel vm2, v50, v29;
	(xrf1) =	vsort.ascd.msk.u32 $0xffff, v51, v61;
	v54 =	vsel vm2, v17, v24;
	v21, v22, _ =	vpop (xrf1)  }
0x98: {  	vm1 =	vge.f32 v18, v23;
	(xrf1) =	vsort.dscd.msk.f32 $0xffff, v52, v53;
	vm2 =	vge.f32 v21, v19  }
0x99: {  	v55, _, _ =	vpop (xrf2);
	v56 =	vsel vm1, v18, v23;
	v17 =	vsel vm1, v20, v28;
	(xrf1) =	vsort.dscd.msk.f32 $0xffff, v10, v54  }
0x9a: {  	(v2sf) =	vpush v55, $0xF;
	v58, v57, _ =	vpop (xrf1);
	v59 =	vsel vm2, v21, v19;
	v18 =	vsel vm2, v22, v31;
	(xrf1) =	vsort.dscd.msk.f32 $0xffff, v56, v17  }
0x9b: {  	v15 =	vperm.xlane v15, v4;
	vm1 =	vge.f32 v58, v6;
	v60, v61, _ =	vpop (xrf1);
	(xrf1) =	vsort.dscd.msk.f32 $0xffff, v59, v18  }
0x9c: {  	v6 =	vsel vm1, v58, v6;
	v62 =	vsel vm1, v57, v16;
	vm1 =	vge.f32 v60, v63  }
0x9d: {  	v9, v16, _ =	vpop (xrf1);
	(xrf1) =	vsort.dscd.msk.f32 $0xffff, v6, v62;
	v6 =	vsel vm1, v60, v63;
	v33 =	vsel vm1, v61, v15  }
0x9e: {  	v32, v12, _ =	vpop (xrf1);
	(xrf1) =	vsort.dscd.msk.f32 $0xffff, v6, v33  }
0x9f: {  	v17, v18, _ =	vpop (xrf1)  }
0xa0: {  	v11 =	vperm.xlane v47, v4;
	v19, v20, _ =	vpop (xrf1)  }
0xa1: {  	v14 =	vperm.xlane v14, v4;
	v34, v21, _ =	vpop (xrf1)  }
0xa2: {  	vm1 =	vge.f32 v9, v11;
	v7 =	vperm.xlane v32, v4;
	v35 =	vperm.xlane v12, v4;
	v22, v23, _ =	vpop (xrf1)  }
0xa3: {  	v14 =	vsel vm1, v16, v14;
	v36 =	vperm.xlane v17, v4;
	v18 =	vperm.xlane v18, v4;
	v12, v17, _ =	vpop (xrf1)  }
0xa4: {  	v9 =	vsel vm1, v9, v11;
	v19 =	vperm.xlane v19, v4;
	v37 =	vperm.xlane v20, v4;
	v24, v25, _ =	vpop (xrf1)  }
0xa5: {  	v10 =	vperm.xlane v34, v4;
	v16 =	vperm.xlane v21, v4;
	_, v15, _ =	vpop (xrf1)  }
0xa6: {  	(xrf1) =	vsort.dscd.msk.f32 $0xffff, v9, v14;
	v20 =	vperm.xlane v22, v4;
	v23 =	vperm.xlane v23, v4;
	v21, v22, _ =	vpop (xrf1)  }
0xa7: {  	v48 =	vperm.xlane v12, v4;
	v50 =	vperm.xlane v17, v4;
	vm1 =	vge.f32 v21, v7;
	v9, v14, _ =	vpop (xrf1)  }
0xa8: {  	s19 =	simm.s32 $0x600;
	v7 =	vsel vm1, v21, v7;
	v6 =	vsel vm1, v22, v35;
	vm1 =	vge.f32 v9, v36;
	v21, v22, _ =	vpop (xrf1)  }
0xa9: {  	v46 =	vld [tilespmem:s19+$0x1A0];
	s18 =	spop (v2sf);
	v8 =	vsel vm1, v9, v36;
	v38 =	vsel vm1, v14, v18;
	vm1 =	vge.f32 v21, v19;
	v14, v18, _ =	vpop (xrf1)  }
0xaa: {  	v47 =	vld [tilespmem:s19+$0xFFFFFE30];
	s15 =	sadd.f32 $9.999999680e-21, s18;
	(xrf1) =	vsort.dscd.msk.f32 $0xffff, v7, v6;
	v19 =	vsel vm1, v21, v19;
	vm2 =	vge.f32 v14, v10  }
0xab: {  	v49 =	vld [tilespmem:s19+$0x180];
	v39 =	vsel vm1, v22, v37;
	v40, v41, _ =	vpop (xrf1);
	(xrf1) =	vsort.dscd.msk.f32 $0xffff, v8, v38;
	v10 =	vsel vm2, v14, v10  }
0xac: {  	v42 =	vmov s15;
	v14 =	vld [tilespmem:s19+$0x1B0];
	v43 =	vsel vm2, v18, v16;
	vm1 =	vge.f32 v40, v20;
	(xrf1) =	vsort.dscd.msk.f32 $0xffff, v19, v39;
	v12, v17, _ =	vpop (xrf1)  }
0xad: {  	v16 =	vld [tilespmem:s19+$0x190];
	v44 =	vsel vm1, v40, v20;
	v45 =	vsel vm1, v41, v23;
	vm1 =	vge.f32 v12, v48  }
0xae: {  	(erf) = vrcp.f32 v42;
	(xrf1) =	vsort.dscd.msk.f32 $0xffff, v10, v43;
	v6 =	vsel vm1, v12, v48;
	v12 =	vld [tilespmem:s19+$0xFFFFFFB0]  }
0xaf: {  	v21 =	vld [tilespmem:s19+$0xFFFFFF30];
	(xrf1) =	vsort.dscd.msk.f32 $0xffff, v44, v45  }
0xb0: {  	v9 =	vsub.f32 $0.0e+00, v47;
	v18 =	vld [tilespmem:s19+$0xFFFFFEB0]  }
0xb1: {  	v52 =	vperm.xlane v24, v4;
	v7 =	vsub.f32 $0.0e+00, v49;
	v22 =	vld [tilespmem:s19+$0xB0];
	v14 =	vsub.f32 $0.0e+00, v14  }
0xb2: {  	v8 =	vsub.f32 $0.0e+00, v46;
	v9 =	vmul.f32 $1.442695020e+00, v9;
	v16 =	vsub.f32 $0.0e+00, v16  }
0xb3: {  	v7 =	vmul.f32 $1.442695020e+00, v7;
	v23 =	vld [tilespmem:s19+$0x130];
	v14 =	vmul.f32 $1.442695020e+00, v14;
	v12 =	vsub.f32 $0.0e+00, v12  }
0xb4: {  	v8 =	vmul.f32 $1.442695020e+00, v8;
	v10 =	vsel vm1, v17, v50;
	v17 =	vld [tilespmem:s19+$0x30];
	v16 =	vmul.f32 $1.442695020e+00, v16  }
0xb5: {  	(erf) = vpow2.f32 v14;
	v14 =	vsub.f32 $0.0e+00, v18;
	v55 =	vmul.f32 $1.442695020e+00, v12  }
0xb6: {  	v12 =	vsub.f32 $0.0e+00, v22;
	(erf) = vpow2.f32 v16;
	v16 =	vsub.f32 $0.0e+00, v21  }
0xb7: {  	v19 =	vpop (erf);
	(erf) = vpow2.f32 v8;
	v53 =	vmul.f32 $1.442695020e+00, v14  }
0xb8: {  	v22 =	vsub.f32 $0.0e+00, v23;
	v21, v24, _ =	vpop (xrf1);
	v12 =	vmul.f32 $1.442695020e+00, v12;
	(erf) = vpow2.f32 v9  }
0xb9: {  	v14 =	vsub.f32 $0.0e+00, v17;
	v54 =	vmul.f32 $1.442695020e+00, v16;
	v18, v28, _ =	vpop (xrf1);
	(erf) = vpow2.f32 v7  }
0xba: {  	(xrf1) =	vsort.dscd.msk.f32 $0xffff, v6, v10;
	v22 =	vmul.f32 $1.442695020e+00, v22;
	(erf) = vpow2.f32 v53;
	v16, v27, _ =	vpop (xrf1)  }
0xbb: {  	v14 =	vmul.f32 $1.442695020e+00, v14;
	(erf) = vpow2.f32 v54;
	v17, v26, _ =	vpop (xrf1)  }
0xbc: {  	v20 =	vperm.xlane v25, v4;
	(erf) = vpow2.f32 v55;
	v8, v6, _ =	vpop (xrf1)  }
0xbd: {  	v56 =	vld [tilespmem:s19+$0xFFFFFE10];
	vm1 =	vge.f32 v21, v52;
	(erf) = vpow2.f32 v14;
	v9, v7, _ =	vpop (xrf1)  }
0xbe: {  	v11 =	vsel vm1, v21, v52;
	v14 =	vsel vm1, v24, v20;
	v20 =	vld [tilespmem:s19+$0xFFFFFE90];
	(erf) = vpow2.f32 v12;
	v12 =	vpop (erf)  }
0xbf: {  	v23 =	vld [tilespmem:s19+$0xFFFFFE20];
	(xrf1) =	vsort.dscd.msk.f32 $0xffff, v11, v14;
	v12 =	vadd.f32 $1.000000000e+00, v12;
	(erf) = vpow2.f32 v22;
	v22 =	vpop (erf)  }
0xc0: {  	v21 =	vld [tilespmem:s19+$0xFFFFFEA0];
	v14 =	vadd.f32 $1.000000000e+00, v22;
	v22 =	vpop (erf)  }
0xc1: {  	v57 =	vld [tilespmem:s19+$0xFFFFFF10];
	(xrf1) =	vsort.ascd.msk.u32 $0xffff, v51, v28;
	v22 =	vadd.f32 $1.000000000e+00, v22;
	v33 =	vpop (erf);
	(erf) = vrcp.f32 v12  }
0xc2: {  	(xrf1) =	vsort.ascd.msk.u32 $0xffff, v51, v27;
	v12 =	vld [tilespmem:s19+$0xFFFFFF90];
	v25 =	vpop (erf);
	(erf) = vrcp.f32 v14  }
0xc3: {  	v14 =	vld [tilespmem:s19+$0xFFFFFFA0];
	v20 =	vsub.f32 $0.0e+00, v20;
	v25 =	vadd.f32 $1.000000000e+00, v25;
	v34 =	vpop (erf);
	(erf) = vrcp.f32 v22  }
0xc4: {  	v23 =	vsub.f32 $0.0e+00, v23;
	v24 =	vld [tilespmem:s19+$0xFFFFFF20];
	v22 =	vsub.f32 $0.0e+00, v56;
	v31 =	vpop (erf)  }
0xc5: {  	v30 =	vld [tilespmem:$0x8030];
	v21 =	vsub.f32 $0.0e+00, v21;
	v10 =	vpop (erf);
	(erf) = vrcp.f32 v25  }
0xc6: {  	v58 =	vld [tilespmem:s19+$0x10];
	v37 =	vmul.f32 $1.442695020e+00, v23;
	v22 =	vmul.f32 $1.442695020e+00, v22;
	v29 =	vpop (erf)  }
0xc7: {  	v62 =	vld [tilespmem:s19+$0xFFFFFE80];
	v11 =	vsub.f32 $0.0e+00, v57;
	v21 =	vmul.f32 $1.442695020e+00, v21;
	v38 =	vmul.f32 $1.442695020e+00, v20;
	v32 =	vpop (erf)  }
0xc8: {  	v23 =	vld [tilespmem:$0x8010];
	v12 =	vsub.f32 $0.0e+00, v12;
	(erf) = vpow2.f32 v22;
	v22 =	vsub.f32 $0.0e+00, v14;
	v14, v20, _ =	vpop (xrf1)  }
0xc9: {  	v36 =	vld [tilespmem:s19+$0x20];
	v11 =	vmul.f32 $1.442695020e+00, v11;
	v24 =	vsub.f32 $0.0e+00, v24;
	v39 =	vpop (erf);
	(erf) = vpow2.f32 v37  }
0xca: {  	v25 =	vld [tilespmem:$0x8020];
	v12 =	vmul.f32 $1.442695020e+00, v12;
	(erf) = vpow2.f32 v38;
	v60 =	vpop (erf)  }
0xcb: {  	v40 =	vld [tilespmem:s19+$0x90];
	v59 =	vmul.f32 $1.442695020e+00, v24;
	(erf) = vpow2.f32 v21;
	v21 =	vpop (erf)  }
0xcc: {  	v24 =	vld [tilespmem:$0x8000];
	v38 =	vadd.f32 v60, v30;
	(erf) = vpow2.f32 v11;
	v61 =	vpop (erf)  }
0xcd: {  	v41 =	vld [tilespmem:s19+$0xA0];
	v45 =	vmul.f32 $1.442695020e+00, v22;
	v43 =	vadd.f32 v21, v23;
	(erf) = vpow2.f32 v59;
	v22, v21, _ =	vpop (xrf1)  }
0xce: {  	v35 =	vsub.f32 $0.0e+00, v58;
	v44 =	vld [tilespmem:s19+$0x120];
	(xrf1) =	vsort.dscd.msk.f32 $0xffff, v38, v3;
	(erf) = vpow2.f32 v12;
	v12 =	vpop (erf)  }
0xcf: {  	v42 =	vld [tilespmem:s19+$0x110];
	v11 =	vadd.f32 v61, v25;
	_, v53, _ =	vpop (xrf1)  }
0xd0: {  	v63 =	vld [tilespmem:s19+$0xFFFFFF00];
	v35 =	vmul.f32 $1.442695020e+00, v35;
	v36 =	vsub.f32 $0.0e+00, v36;
	(xrf1) =	vsort.dscd.msk.f32 $0xffff, v43, v1;
	[tilespmem:$0x1FF20] =	vst v53;
	_, v55, _ =	vpop (xrf1)  }
0xd1: {  	(erf) = vpow2.f32 v45;
	v52 =	vadd.f32 v12, v24;
	(xrf1) =	vsort.dscd.msk.f32 $0xffff, v11, v2;
	v54 =	vld [tilespmem:s19+$0xFFFFFF80];
	[tilespmem:$0x1FF30] =	vst v55  }
0xd2: {  	v36 =	vmul.f32 $1.442695020e+00, v36;
	v56 =	vsub.f32 $0.0e+00, v40;
	(erf) = vpow2.f32 v35;
	v58 =	vld [tilespmem:s19+$0xFFFFFE00]  }
0xd3: {  	v5 =	vmov v1;
	v44 =	vsub.f32 $0.0e+00, v44;
	v57 =	vsub.f32 $0.0e+00, v41;
	v46 =	vpop (erf);
	(xrf1) =	vsort.dscd.msk.f32 $0xffff, v52, v0;
	v60 =	vld [tilespmem:s19+$0x0]  }
0xd4: {  	v59 =	vsub.f32 $0.0e+00, v42;
	v35 =	vmul.f32 $1.442695020e+00, v56;
	(erf) = vpow2.f32 v36;
	v43 =	vpop (erf);
	v47 =	vld [tilespmem:s19+$0x80]  }
0xd5: {  	v44 =	vmul.f32 $1.442695020e+00, v44;
	v40 =	vmul.f32 $1.442695020e+00, v57;
	v37 =	vsub.f32 $0.0e+00, v62;
	v49 =	vld [tilespmem:s19+$0x100];
	v48 =	vpop (erf)  }
0xd6: {  	v38 =	vsub.f32 $0.0e+00, v63;
	v36 =	vmul.f32 $1.442695020e+00, v59;
	v50 =	vpop (erf);
	(erf) = vpow2.f32 v35  }
0xd7: {  	v61 =	vmul.f32 $1.442695020e+00, v37;
	v51 =	vpop (erf);
	(erf) = vpow2.f32 v40;
	v63 =	vsub.f32 $0.0e+00, v58  }
0xd8: {  	v62 =	vmul.f32 $1.442695020e+00, v38;
	v45 =	vsub.f32 $0.0e+00, v54;
	v41 =	vpop (erf);
	(erf) = vpow2.f32 v36  }
0xd9: {  	v42 =	vsub.f32 $0.0e+00, v60;
	v52 =	vpop (erf);
	v1 =	vsub.f32 $0.0e+00, v47;
	v58 =	vld [tilespmem:$0x1FFB0];
	v38 =	vmul.f32 $1.442695020e+00, v63  }
0xda: {  	v57 =	vsub.f32 $0.0e+00, v49;
	(erf) = vpow2.f32 v44;
	v45 =	vmul.f32 $1.442695020e+00, v45;
	v47 =	vpop (erf)  }
0xdb: {  	v11 =	vmul.f32 $1.442695020e+00, v42;
	v49 =	vpop (erf);
	v40 =	vmul.f32 $1.442695020e+00, v1  }
0xdc: {  	v42 =	vmul.f32 $1.442695020e+00, v57;
	(erf) = vpow2.f32 v38;
	v60, v59, _ =	vpop (xrf1)  }
0xdd: {  	(erf) = vpow2.f32 v61;
	v38 =	vpop (erf);
	v35 =	vperm.xlane v60, v4  }
0xde: {  	(xrf1) =	vsort.ascd.msk.u32 $0xffff, v58, v26;
	(erf) = vpow2.f32 v62;
	v61, v53, _ =	vpop (xrf1);
	v44 =	vperm.xlane v59, v4  }
0xdf: {  	v33 =	vadd.f32 $1.000000000e+00, v33;
	(erf) = vpow2.f32 v45;
	v62, v54, _ =	vpop (xrf1);
	v37 =	vperm.xlane v61, v4  }
0xe0: {  	v63 =	vpop (erf);
	v53 =	vperm.xlane v53, v4;
	vm1 =	vge.f32 v62, v35;
	(erf) = vpow2.f32 v11  }
0xe1: {  	v35 =	vsel vm1, v62, v35;
	v44 =	vsel vm1, v54, v44;
	v1, v11, _ =	vpop (xrf1);
	(erf) = vpow2.f32 v40  }
0xe2: {  	v34 =	vadd.f32 $1.000000000e+00, v34;
	v40 =	vpop (erf);
	vm1 =	vge.f32 v1, v37;
	(xrf1) =	vsort.dscd.msk.f32 $0xffff, v35, v44;
	(erf) = vpow2.f32 v42  }
0xe3: {  	v31 =	vadd.f32 $1.000000000e+00, v31;
	v42 =	vpop (erf);
	v45 =	vsel vm1, v1, v37;
	v54 =	vsel vm1, v11, v53  }
0xe4: {  	(erf) = vrcp.f32 v33;
	v33 =	vpop (erf);
	(xrf1) =	vsort.dscd.msk.f32 $0xffff, v45, v54  }
0xe5: {  	v35 =	vpop (erf);
	(erf) = vrcp.f32 v34  }
0xe6: {  	v10 =	vadd.f32 $1.000000000e+00, v10;
	v34 =	vpop (erf);
	(erf) = vrcp.f32 v31  }
0xe7: {  	v29 =	vadd.f32 $1.000000000e+00, v29;
	v31 =	vpop (erf)  }
0xe8: {  	v32 =	vadd.f32 $1.000000000e+00, v32;
	v37 =	vpop (erf);
	(erf) = vrcp.f32 v10  }
0xe9: {  	v39 =	vadd.f32 $1.000000000e+00, v39;
	v44 =	vpop (erf);
	(erf) = vrcp.f32 v29  }
0xea: {  	v29 =	vadd.f32 $1.000000000e+00, v46;
	v45 =	vpop (erf);
	(erf) = vrcp.f32 v32  }
0xeb: {  	v55 =	vadd.f32 $1.000000000e+00, v43;
	v43 =	vpop (erf);
	(erf) = vrcp.f32 v39  }
0xec: {  	v13 =	vmul.f32 $2.500000000e+00, v13;
	_, v1, _ =	vpop (xrf1);
	(erf) = vrcp.f32 v29;
	v29 =	vadd.f32 $1.000000000e+00, v50  }
0xed: {  	v56 =	vadd.f32 $1.000000000e+00, v48;
	v46 =	vpop (erf)  }
0xee: {  	v13 =	vmul.f32 v19, v13;
	v19 =	vadd.f32 $1.000000000e+00, v41;
	(erf) = vrcp.f32 v55;
	v57 =	vpop (erf)  }
0xef: {  	v58 =	vadd.f32 $1.000000000e+00, v51;
	(erf) = vrcp.f32 v56;
	v59 =	vpop (erf)  }
0xf0: {  	(erf) = vrcp.f32 v29;
	v29, v10, _ =	vpop (xrf1)  }
0xf1: {  	v47 =	vadd.f32 $1.000000000e+00, v47;
	[tilespmem:$0x1FF80] =	vst v1;
	(erf) = vrcp.f32 v58;
	v60 =	vpop (erf)  }
0xf2: {  	v11 =	vld.idx.msk [tilespmem:v28+s8+$0x0], $0xffff;
	v28 =	vadd.f32 $1.000000000e+00, v52;
	v29 =	vperm.xlane v29, v4;
	(erf) = vrcp.f32 v19;
	v19, v61, _ =	vpop (xrf1)  }
0xf3: {  	v49 =	vadd.f32 $1.000000000e+00, v49;
	v38 =	vadd.f32 $1.000000000e+00, v38;
	v41 =	vperm.xlane v10, v4;
	v62 =	vpop (erf)  }
0xf4: {  	v36 =	vadd.f32 $1.000000000e+00, v63;
	(erf) = vrcp.f32 v28;
	vm1 =	vge.f32 v19, v29;
	v63 =	vpop (erf)  }
0xf5: {  	(erf) = vrcp.f32 v47;
	v19 =	vsel vm1, v19, v29;
	v29 =	vsel vm1, v61, v41;
	v1 =	vpop (erf)  }
0xf6: {  	s14 =	simm.s32 $0x8280;
	v13 =	vsel vm0, v13, v15;
	(erf) = vrcp.f32 v49;
	(xrf1) =	vsort.dscd.msk.f32 $0xffff, v19, v29;
	v15 =	vpop (erf)  }
0xf7: {  	[tilespmem:s14+$0x180] =	vst v13;
	v13 =	vadd.f32 $1.000000000e+00, v40;
	(erf) = vrcp.f32 v38;
	v49 =	vpop (erf)  }
0xf8: {  	v19 =	vadd.f32 $1.000000000e+00, v42;
	(erf) = vrcp.f32 v36;
	v36 =	vpop (erf)  }
0xf9: {  	(erf) = vrcp.f32 v13;
	v13 =	vadd.f32 $1.000000000e+00, v33;
	v33 =	vpop (erf)  }
0xfa: {  	(erf) = vrcp.f32 v19;
	v19 =	vadd.f32 $1.000000000e+00, v35;
	v35 =	vpop (erf)  }
0xfb: {  	v51 =	vld.idx.msk [tilespmem:v27+s8+$0x0], $0xffff;
	v52 =	vpop (erf);
	(erf) = vrcp.f32 v13;
	v13 =	vadd.f32 $1.000000000e+00, v31;
	v31 =	vadd.f32 v46, v30  }
0xfc: {  	v34 =	vadd.f32 $1.000000000e+00, v34;
	v53 =	vld.idx.msk [tilespmem:v26+s8+$0x0], $0xffff  }
0xfd: {  	v43 =	vadd.f32 $1.000000000e+00, v43;
	v26 =	vld.idx.msk [tilespmem:v6+s8+$0x0], $0xffff;
	v32 =	vadd.f32 v57, v30;
	v55 =	vpop (erf)  }
0xfe: {  	v27 =	vld.idx.msk [tilespmem:v7+s8+$0x0], $0xffff;
	v57 =	vadd.f32 $1.000000000e+00, v44;
	v39 =	vadd.f32 v59, v30;
	v56 =	vpop (erf)  }
0xff: {  	v58 =	vadd.f32 v60, v30;
	v11 =	vsub.f32 v18, v11;
	(erf) = vrcp.f32 v19;
	(xrf1) =	vsort.dscd.msk.f32 $0xffff, v31, v3;
	v31 =	vpop (erf)  }
0x100: {  	v28 =	vld.idx.msk [tilespmem:v20+s8+$0x0], $0xffff;
	v10 =	vsub.f32 v16, v51;
	v19 =	vadd.f32 $1.000000000e+00, v37;
	(erf) = vrcp.f32 v34;
	v59 =	vpop (erf)  }
0x101: {  	v60 =	vadd.f32 v62, v30;
	v62 =	vadd.f32 v63, v30;
	(erf) = vrcp.f32 v13;
	(xrf1) =	vsort.dscd.msk.f32 $0xffff, v32, v3;
	v61 =	vpop (erf)  }
0x102: {  	v29 =	vld.idx.msk [tilespmem:v21+s8+$0x0], $0xffff;
	[tilespmem:$0x1FF00] =	vst v11;
	v13 =	vadd.f32 $1.000000000e+00, v45;
	(erf) = vrcp.f32 v19;
	(xrf1) =	vsort.dscd.msk.f32 $0xffff, v39, v3;
	v63 =	vpop (erf)  }
0x103: {  	v18 =	vadd.f32 v1, v30;
	v1 =	vsub.f32 v17, v53;
	(erf) = vrcp.f32 v57;
	(xrf1) =	vsort.dscd.msk.f32 $0xffff, v58, v3;
	v30 =	vpop (erf)  }
0x104: {  	[tilespmem:$0x1FF10] =	vst v10;
	v47 =	vadd.f32 v15, v23;
	(erf) = vrcp.f32 v13;
	(xrf1) =	vsort.dscd.msk.f32 $0xffff, v60, v3;
	v48, v15, _ =	vpop (xrf1)  }
0x105: {  	[tilespmem:$0x1FF40] =	vst v1;
	v17 =	vadd.f32 v49, v25;
	(erf) = vrcp.f32 v43;
	(xrf1) =	vsort.dscd.msk.f32 $0xffff, v62, v3;
	v49 =	vpop (erf)  }
0x106: {  	(xrf1) =	vsort.dscd.msk.f32 $0xffff, v18, v3;
	v18 =	vadd.f32 v36, v23;
	_ =	sdelay $0x1  }
0x107: {  	v33 =	vadd.f32 v33, v25;
	v50 =	vpop (erf);
	(xrf1) =	vsort.dscd.msk.f32 $0xffff, v47, v5  }
0x108: {  	v35 =	vadd.f32 v35, v23;
	v40 =	vadd.f32 v52, v25;
	(xrf1) =	vsort.dscd.msk.f32 $0xffff, v17, v2;
	v17 =	vpop (erf)  }
0x109: {  	v51 =	vadd.f32 v55, v23;
	v34 =	vadd.f32 v56, v25;
	(xrf1) =	vsort.dscd.msk.f32 $0xffff, v18, v5;
	v18 =	vpop (erf)  }
0x10a: {  	v31 =	vadd.f32 v31, v23;
	v32 =	vadd.f32 v59, v25;
	v53 =	vld.idx.msk [tilespmem:v15+s8+$0x0], $0xffff;
	(xrf1) =	vsort.dscd.msk.f32 $0xffff, v33, v2;
	v52 =	vpop (erf)  }
0x10b: {  	v37 =	vadd.f32 v61, v23;
	v42 =	vadd.f32 v63, v25;
	(xrf1) =	vsort.dscd.msk.f32 $0xffff, v35, v5;
	v54 =	vpop (erf)  }
0x10c: {  	v30 =	vadd.f32 v30, v23;
	v25 =	vadd.f32 v49, v25;
	(xrf1) =	vsort.dscd.msk.f32 $0xffff, v40, v2;
	v56, v57, _ =	vpop (xrf1)  }
0x10d: {  	v36 =	vadd.f32 v50, v24;
	v17 =	vadd.f32 v17, v24;
	v23 =	vpop (erf);
	(xrf1) =	vsort.dscd.msk.f32 $0xffff, v51, v5  }
0x10e: {  	v18 =	vadd.f32 v18, v24;
	v33 =	vadd.f32 v52, v24;
	v59, v58, _ =	vpop (xrf1);
	(xrf1) =	vsort.dscd.msk.f32 $0xffff, v34, v2  }
0x10f: {  	v55 =	vpop (erf);
	v35 =	vadd.f32 v23, v24;
	v23 =	vsub.f32 v48, v53;
	(xrf1) =	vsort.dscd.msk.f32 $0xffff, v31, v5  }
0x110: {  	v40 =	vperm.xlane v56, v4;
	v41 =	vperm.xlane v57, v4;
	v39, v43, _ =	vpop (xrf1);
	(xrf1) =	vsort.dscd.msk.f32 $0xffff, v32, v2  }
0x111: {  	v34 =	vadd.f32 v54, v24;
	v44 =	vperm.xlane v58, v4;
	v61, v60, _ =	vpop (xrf1);
	v62 =	vnsel vm0, $0x0, v23;
	(xrf1) =	vsort.dscd.msk.f32 $0xffff, v37, v5  }
0x112: {  	v31 =	vperm.xlane v59, v4;
	v24 =	vadd.f32 v55, v24;
	v32 =	vperm.xlane v39, v4;
	v52, v63, _ =	vpop (xrf1);
	(xrf2) =	vadd.scan.msk.f32 $0xffff, v62  }
0x113: {  	v39 =	vperm.xlane v43, v4;
	v38 =	vperm.xlane v60, v4;
	v53, v54, _ =	vpop (xrf1);
	(xrf1) =	vsort.dscd.msk.f32 $0xffff, v42, v2  }
0x114: {  	v37 =	vperm.xlane v61, v4;
	v43 =	vperm.xlane v52, v4;
	(xrf1) =	vsort.dscd.msk.f32 $0xffff, v30, v5;
	v56, v55, _ =	vpop (xrf1)  }
0x115: {  	v47 =	vperm.xlane v63, v4;
	v45 =	vperm.xlane v53, v4;
	(xrf1) =	vsort.dscd.msk.f32 $0xffff, v25, v2;
	v57, v58, _ =	vpop (xrf1)  }
0x116: {  	v46 =	vperm.xlane v54, v4;
	v30 =	vperm.xlane v56, v4;
	(xrf1) =	vsort.dscd.msk.f32 $0xffff, v36, v0;
	v60, v59, _ =	vpop (xrf1)  }
0x117: {  	v25 =	vperm.xlane v55, v4;
	v42 =	vperm.xlane v57, v4;
	(xrf1) =	vsort.dscd.msk.f32 $0xffff, v17, v0;
	v61, v48, _ =	vpop (xrf1)  }
0x118: {  	v50 =	vperm.xlane v58, v4;
	vm1 =	vge.f32 v60, v40;
	(xrf1) =	vsort.dscd.msk.f32 $0xffff, v18, v0;
	v17, v62, _ =	vpop (xrf1)  }
0x119: {  	v40 =	vsel vm1, v60, v40;
	vm2 =	vge.f32 v17, v31;
	v18, v52, _ =	vpop (xrf1);
	(xrf1) =	vsort.dscd.msk.f32 $0xffff, v33, v0  }
0x11a: {  	v36 =	vperm.xlane v61, v4;
	v17 =	vsel vm2, v17, v31;
	v31, v63, _ =	vpop (xrf1);
	(xrf1) =	vsort.dscd.msk.f32 $0xffff, v34, v0  }
0x11b: {  	v41 =	vsel vm1, v59, v41;
	v60 =	vnsel vm0, $0x0, v11;
	vm1 =	vge.f32 v31, v32;
	v56, v53, _ =	vpop (xrf1);
	(xrf1) =	vsort.dscd.msk.f32 $0xffff, v35, v0  }
0x11c: {  	(xrf2) =	vadd.scan.msk.f32 $0xffff, v60;
	v18 =	vperm.xlane v18, v4;
	v57 =	vsel vm2, v62, v44;
	v31 =	vsel vm1, v31, v32;
	v59, v58, _ =	vpop (xrf1)  }
0x11d: {  	v33 =	vperm.xlane v56, v4;
	(xrf1) =	vsort.dscd.msk.f32 $0xffff, v24, v0;
	v24, _, _ =	vpop (xrf2);
	vm2 =	vge.f32 v59, v37  }
0x11e: {  	v39 =	vsel vm1, v63, v39;
	(xrf1) =	vsort.dscd.msk.f32 $0xffff, v40, v41;
	v61, v62, _ =	vpop (xrf1);
	v38 =	vsel vm2, v58, v38  }
0x11f: {  	v63 =	vnsel vm0, $0x0, v10;
	(v2sf) =	vpush v24, $0xF;
	v32 =	vsel vm2, v59, v37;
	(xrf1) =	vsort.dscd.msk.f32 $0xffff, v17, v57;
	v17, v34, _ =	vpop (xrf1)  }
0x120: {  	v24 =	vperm.xlane v48, v4;
	(xrf2) =	vadd.scan.msk.f32 $0xffff, v63;
	v40 =	vperm.xlane v62, v4;
	vm1 =	vge.f32 v17, v43;
	v10, v11, _ =	vpop (xrf1)  }
0x121: {  	(xrf1) =	vsort.dscd.msk.f32 $0xffff, v31, v39;
	v39 =	vperm.xlane v53, v4;
	v17 =	vsel vm1, v17, v43;
	v53, v54, _ =	vpop (xrf1)  }
0x122: {  	v34 =	vsel vm1, v34, v47;
	(xrf1) =	vsort.dscd.msk.f32 $0xffff, v32, v38;
	vm1 =	vge.f32 v53, v45;
	v32, v38, _ =	vpop (xrf1)  }
0x123: {  	v49 =	vld [tilespmem:$0x1FFB0];
	v31 =	vperm.xlane v52, v4;
	v52 =	vperm.xlane v10, v4;
	v43 =	vsel vm1, v53, v45;
	v56, v57, _ =	vpop (xrf1)  }
0x124: {  	v44 =	vsel vm1, v54, v46;
	(xrf1) =	vsort.dscd.msk.f32 $0xffff, v17, v34;
	vm1 =	vge.f32 v56, v30;
	v58, v59, _ =	vpop (xrf1)  }
0x125: {  	v17 =	vsel vm1, v56, v30;
	v25 =	vsel vm1, v57, v25;
	v30, v60, _ =	vpop (xrf1);
	(xrf1) =	vsort.dscd.msk.f32 $0xffff, v43, v44  }
0x126: {  	v55 =	vperm.xlane v11, v4;
	vm1 =	vge.f32 v58, v42;
	v63, v62, _ =	vpop (xrf1);
	(xrf1) =	vsort.dscd.msk.f32 $0xffff, v17, v25  }
0x127: {  	v17 =	vsel vm1, v58, v42;
	v25 =	vsel vm1, v59, v50;
	vm1 =	vge.f32 v63, v18;
	v11, v10, _ =	vpop (xrf1)  }
0x128: {  	vm2 =	vge.f32 v30, v36;
	(xrf1) =	vsort.ascd.msk.u32 $0xffff, v49, v15;
	v48, v47, _ =	vpop (xrf1);
	v15 =	vsel vm1, v63, v18  }
0x129: {  	v30 =	vsel vm2, v30, v36;
	v24 =	vsel vm2, v60, v24;
	(xrf1) =	vsort.dscd.msk.f32 $0xffff, v17, v25;
	v18, v50, _ =	vpop (xrf1)  }
0x12a: {  	v17 =	vsel vm1, v62, v31;
	v25, _, _ =	vpop (xrf2);
	(xrf1) =	vsort.dscd.msk.f32 $0xffff, v30, v24  }
0x12b: {  	vm2 =	vge.f32 v11, v33;
	(v2sf) =	vpush v25, $0xF;
	(xrf1) =	vsort.dscd.msk.f32 $0xffff, v15, v17;
	v15, _, _ =	vpop (xrf2)  }
0x12c: {  	v37 =	vperm.xlane v61, v4;
	v30 =	vsel vm2, v10, v39;
	(v2sf) =	vpush v15, $0xF  }
0x12d: {  	v24 =	vsel vm2, v11, v33  }
0x12e: {  	v61 =	vnsel vm0, $0x0, v1;
	v32 =	vperm.xlane v32, v4;
	vm1 =	vge.f32 v48, v37  }
0x12f: {  	(xrf2) =	vadd.scan.msk.f32 $0xffff, v61;
	v38 =	vperm.xlane v38, v4;
	v58 =	vld [tilespmem:$0x1FFB0];
	vm2 =	vge.f32 v18, v52;
	v31 =	vsel vm1, v48, v37;
	v17, v25, _ =	vpop (xrf1)  }
0x130: {  	v61 =	vld [tilespmem:$0x1FFB0];
	(xrf1) =	vsort.dscd.msk.f32 $0xffff, v24, v30;
	v18 =	vsel vm2, v18, v52;
	v15 =	vsel vm1, v47, v40;
	v24, v30, _ =	vpop (xrf1)  }
0x131: {  	v51 =	vsel vm2, v50, v55;
	vm1 =	vge.f32 v17, v32;
	(xrf1) =	vsort.dscd.msk.f32 $0xffff, v31, v15;
	v53, v52, _ =	vpop (xrf1)  }
0x132: {  	v15 =	vsel vm1, v17, v32;
	v17 =	vsel vm1, v25, v38;
	(xrf1) =	vsort.dscd.msk.f32 $0xffff, v18, v51;
	v25, v54, _ =	vpop (xrf1)  }
0x133: {  	v12 =	vsub.f32 v14, v28;
	v44 =	vld [tilespmem:$0x1FFB0];
	v55 =	vsub.f32 v8, v26;
	(xrf1) =	vsort.dscd.msk.f32 $0xffff, v15, v17;
	v8, v26, _ =	vpop (xrf1)  }
0x134: {  	v59 =	vsub.f32 v9, v27;
	v48 =	vld [tilespmem:$0x1FFB0];
	(xrf1) =	vsort.ascd.msk.u32 $0xffff, v58, v6;
	v57, v56, _ =	vpop (xrf1)  }
0x135: {  	[tilespmem:$0x1FF70] =	vst v12;
	v62 =	vsub.f32 v22, v29;
	(xrf1) =	vsort.ascd.msk.u32 $0xffff, v61, v7;
	v9, v27, _ =	vpop (xrf1)  }
0x136: {  	[tilespmem:$0x1FF60] =	vst v59;
	v60 =	vnsel vm0, $0x0, v55;
	v22 =	vperm.xlane v24, v4;
	v24 =	vperm.xlane v30, v4;
	v63, v28, _ =	vpop (xrf1)  }
0x137: {  	v43 =	vnsel vm0, $0x0, v59;
	(xrf2) =	vadd.scan.msk.f32 $0xffff, v60;
	v29 =	vperm.xlane v53, v4;
	v30 =	vperm.xlane v52, v4;
	_, v32, _ =	vpop (xrf1)  }
0x138: {  	[tilespmem:$0x1FFA0] =	vst v62;
	v25 =	vperm.xlane v25, v4;
	v33 =	vperm.xlane v54, v4;
	(xrf1) =	vsort.ascd.msk.u32 $0xffff, v44, v20;
	v47, v46, _ =	vpop (xrf1)  }
0x139: {  	s20 =	spop (v2sf);
	[tilespmem:$0x1FF50] =	vst v55;
	v8 =	vperm.xlane v8, v4;
	(xrf1) =	vsort.ascd.msk.u32 $0xffff, v48, v21;
	v21 =	vperm.xlane v26, v4;
	v49, v26, _ =	vpop (xrf1)  }
0x13a: {  	v31, _, _ =	vpop (xrf2);
	(xrf2) =	vadd.scan.msk.f32 $0xffff, v43;
	v20 =	vnsel vm0, $0x0, v12;
	vm1 =	vge.f32 v47, v22;
	vm2 =	vge.f32 v49, v29;
	s16 =	spop (v2sf)  }
0x13b: {  	s21 =	simm.s32 $0xA00;
	s15 =	sadd.f32 $9.999999680e-21, s20;
	(xrf2) =	vadd.scan.msk.f32 $0xffff, v20;
	v22 =	vsel vm1, v47, v22;
	v50, v51, _ =	vpop (xrf1);
	v20 =	vsel vm1, v46, v24;
	v6 =	vsel vm2, v49, v29;
	s17 =	spop (v2sf)  }
0x13c: {  	vm1 =	vge.f32 v50, v25;
	v24 =	vsel vm2, v26, v30;
	(xrf1) =	vsort.dscd.msk.f32 $0xffff, v22, v20;
	v20 =	vld [tilespmem:s21+$0x1B0];
	s17 =	sadd.f32 $9.999999680e-21, s17  }
0x13d: {  	v25 =	vsel vm1, v50, v25;
	v22 =	vsel vm1, v51, v33;
	(xrf1) =	vsort.dscd.msk.f32 $0xffff, v6, v24  }
0x13e: {  	v18 =	vmov s15;
	v53 =	vld [tilespmem:s21+$0x190];
	v26, v29, _ =	vpop (xrf1);
	s16 =	sadd.f32 $9.999999680e-21, s16;
	(xrf1) =	vsort.dscd.msk.f32 $0xffff, v25, v22;
	v22 =	vmov s17  }
0x13f: {  	(erf) = vrcp.f32 v18;
	vm1 =	vge.f32 v26, v8;
	v30, v52, _ =	vpop (xrf1);
	v25 =	vld [tilespmem:s21+$0x1A0]  }
0x140: {  	v8 =	vsel vm1, v26, v8;
	v21 =	vsel vm1, v29, v21;
	v24, v26, _ =	vpop (xrf1);
	v29 =	vmov s16  }
0x141: {  	v55 =	vld [tilespmem:s21+$0x180];
	(xrf1) =	vsort.dscd.msk.f32 $0xffff, v8, v21;
	v41, v42, _ =	vpop (xrf1);
	(erf) = vrcp.f32 v29;
	v21 =	vsub.f32 $0.0e+00, v20  }
0x142: {  	v54 =	vld [tilespmem:s21+$0xFFFFFE30];
	(erf) = vrcp.f32 v22;
	_, v22, _ =	vpop (xrf1)  }
0x143: {  	v35 =	vperm.xlane v57, v4;
	v36 =	vperm.xlane v56, v4;
	v6 =	vsub.f32 $0.0e+00, v53;
	_, v56, _ =	vpop (xrf1)  }
0x144: {  	v9 =	vperm.xlane v9, v4;
	v25 =	vsub.f32 $0.0e+00, v25;
	v59 =	vmul.f32 $1.442695020e+00, v21;
	[tilespmem:$0x1FF90] =	vst v56  }
0x145: {  	v45 =	vnsel vm0, $0x0, v62;
	v27 =	vperm.xlane v27, v4;
	v61 =	vmul.f32 $1.442695020e+00, v6;
	v57 =	vld [tilespmem:s21+$0xFFFFFEB0]  }
0x146: {  	v38 =	vsub.f32 $0.0e+00, v55;
	v25 =	vmul.f32 $1.442695020e+00, v25;
	(erf) = vpow2.f32 v59;
	_, v21, _ =	vpop (xrf1);
	v58 =	vld [tilespmem:s21+$0xFFFFFF30]  }
0x147: {  	v7 =	vperm.xlane v63, v4;
	v8 =	vsub.f32 $0.0e+00, v54;
	(erf) = vpow2.f32 v61;
	v60 =	vld [tilespmem:s21+$0xFFFFFFB0];
	_, v63, _ =	vpop (xrf1)  }
0x148: {  	v43 =	vperm.xlane v28, v4;
	vm1 =	vge.f32 v30, v35;
	(erf) = vpow2.f32 v25;
	v62 =	vld [tilespmem:s21+$0x30];
	[tilespmem:$0x1FEC0] =	vst v63  }
0x149: {  	v28 =	vsel vm1, v30, v35;
	v30 =	vsel vm1, v52, v36;
	v8 =	vmul.f32 $1.442695020e+00, v8;
	v1 =	vld [tilespmem:s21+$0xB0]  }
0x14a: {  	v38 =	vmul.f32 $1.442695020e+00, v38;
	vm1 =	vge.f32 v24, v9;
	(xrf1) =	vsort.dscd.msk.f32 $0xffff, v28, v30;
	v52 =	vld [tilespmem:s21+$0x130];
	v39 =	vsub.f32 $0.0e+00, v57  }
0x14b: {  	v34 =	vpop (erf);
	v9 =	vsel vm1, v24, v9;
	(erf) = vpow2.f32 v8;
	v25 =	vsub.f32 $0.0e+00, v58  }
0x14c: {  	v36 =	vpop (erf);
	(erf) = vpow2.f32 v38;
	v37 =	vsub.f32 $0.0e+00, v60;
	v53 =	vmul.f32 $1.442695020e+00, v39  }
0x14d: {  	v26 =	vsel vm1, v26, v27;
	v40, v47, _ =	vpop (xrf1);
	v24 =	vmul.f32 $1.442695020e+00, v25;
	v25 =	vsub.f32 $0.0e+00, v62  }
0x14e: {  	v35 =	vpop (erf);
	v54 =	vmul.f32 $1.442695020e+00, v37;
	v55 =	vsub.f32 $0.0e+00, v1;
	(erf) = vpow2.f32 v53  }
0x14f: {  	v58 =	vpop (erf);
	v56 =	vmul.f32 $1.442695020e+00, v25;
	v25 =	vsub.f32 $0.0e+00, v52;
	(erf) = vpow2.f32 v24  }
0x150: {  	vm1 =	vge.f32 v41, v7;
	v27 =	vld [tilespmem:s21+$0xFFFFFE10];
	v59 =	vpop (erf);
	v44 =	vmul.f32 $1.442695020e+00, v55;
	(erf) = vpow2.f32 v54  }
0x151: {  	v7 =	vsel vm1, v41, v7;
	v62 =	vld [tilespmem:$0x1FFB0];
	v60 =	vpop (erf);
	v25 =	vmul.f32 $1.442695020e+00, v25;
	(erf) = vpow2.f32 v56  }
0x152: {  	(xrf1) =	vsort.dscd.msk.f32 $0xffff, v9, v26;
	v26 =	vsel vm1, v42, v43;
	v38, v46, _ =	vpop (xrf1);
	v61 =	vadd.f32 $1.000000000e+00, v60;
	v60 =	vld [tilespmem:$0x1FFB0];
	(erf) = vpow2.f32 v44  }
0x153: {  	(xrf2) =	vadd.scan.msk.f32 $0xffff, v45;
	v41 =	vld [tilespmem:s21+$0xFFFFFE90];
	v8 =	vadd.f32 $1.000000000e+00, v58;
	v37, v45, _ =	vpop (xrf1);
	(erf) = vpow2.f32 v25;
	v25 =	vadd.f32 $1.000000000e+00, v59  }
0x154: {  	v42 =	vld [tilespmem:s21+$0xFFFFFEA0];
	v20 =	vpop (erf)  }
0x155: {  	(xrf1) =	vsort.dscd.msk.f32 $0xffff, v7, v26;
	v57 =	vld [tilespmem:s21+$0xFFFFFE20];
	v26 =	vpop (erf);
	(erf) = vrcp.f32 v8  }
0x156: {  	v43 =	vld [tilespmem:s21+$0xFFFFFF10];
	v39, v24, _ =	vpop (xrf1);
	(xrf1) =	vsort.ascd.msk.u32 $0xffff, v62, v47;
	(erf) = vrcp.f32 v25  }
0x157: {  	v63 =	vld [tilespmem:s21+$0xFFFFFF90];
	v26 =	vadd.f32 $1.000000000e+00, v26;
	(xrf1) =	vsort.ascd.msk.u32 $0xffff, v60, v46;
	(erf) = vrcp.f32 v61;
	v53 =	vpop (erf)  }
0x158: {  	v50 =	vld [tilespmem:$0x8030];
	v44, v25, _ =	vpop (xrf1)  }
0x159: {  	v27 =	vsub.f32 $0.0e+00, v27;
	v56 =	vld [tilespmem:s21+$0x10];
	v51 =	vpop (erf);
	(erf) = vrcp.f32 v26;
	v26 =	vsub.f32 $0.0e+00, v41  }
0x15a: {  	v48 =	vsub.f32 $0.0e+00, v57;
	v8 =	vld [tilespmem:s21+$0xFFFFFF20];
	v52 =	vpop (erf)  }
0x15b: {  	v27 =	vmul.f32 $1.442695020e+00, v27;
	v61 =	vld [tilespmem:s21+$0xFFFFFFA0];
	v54 =	vpop (erf);
	v26 =	vmul.f32 $1.442695020e+00, v26  }
0x15c: {  	v57 =	vsub.f32 $0.0e+00, v43;
	v62 =	vsub.f32 $0.0e+00, v42;
	v48 =	vmul.f32 $1.442695020e+00, v48;
	v42 =	vld [tilespmem:$0x8010];
	v55 =	vpop (erf)  }
0x15d: {  	(erf) = vpow2.f32 v27;
	v59 =	vpop (erf)  }
0x15e: {  	v49 =	vsub.f32 $0.0e+00, v63;
	v43 =	vld [tilespmem:$0x8020];
	v27 =	vmul.f32 $1.442695020e+00, v57;
	(erf) = vpow2.f32 v48;
	v63 =	vpop (erf)  }
0x15f: {  	v58 =	vmul.f32 $1.442695020e+00, v62;
	v56 =	vsub.f32 $0.0e+00, v56;
	v57 =	vld [tilespmem:s21+$0x20];
	(erf) = vpow2.f32 v26;
	v26 =	vpop (erf)  }
0x160: {  	v49 =	vmul.f32 $1.442695020e+00, v49;
	v41 =	vld [tilespmem:$0x8000];
	v8 =	vsub.f32 $0.0e+00, v8;
	v7 =	vsub.f32 $0.0e+00, v61;
	v62 =	vpop (erf)  }
0x161: {  	v61 =	vld [tilespmem:s21+$0x90];
	v60 =	vadd.f32 v63, v50;
	(erf) = vpow2.f32 v58;
	v58 =	vadd.f32 v26, v42;
	v48, v26, _ =	vpop (xrf1)  }
0x162: {  	v8 =	vmul.f32 $1.442695020e+00, v8;
	v9 =	vmul.f32 $1.442695020e+00, v7;
	v63 =	vld [tilespmem:s21+$0xA0];
	v1 =	vpop (erf)  }
0x163: {  	v7 =	vmul.f32 $1.442695020e+00, v56;
	(erf) = vpow2.f32 v27;
	v62 =	vadd.f32 v62, v43;
	(xrf1) =	vsort.dscd.msk.f32 $0xffff, v60, v3;
	v60 =	vld [tilespmem:s21+$0x110];
	v56, v27, _ =	vpop (xrf1)  }
0x164: {  	(erf) = vpow2.f32 v8;
	v57 =	vsub.f32 $0.0e+00, v57;
	(xrf1) =	vsort.dscd.msk.f32 $0xffff, v58, v5;
	v58 =	vld [tilespmem:s21+$0x120];
	_, v10, _ =	vpop (xrf1)  }
0x165: {  	(erf) = vpow2.f32 v49;
	v6 =	vadd.f32 v1, v41;
	(xrf1) =	vsort.dscd.msk.f32 $0xffff, v62, v2;
	v62 =	vld [tilespmem:s21+$0xFFFFFE00];
	[tilespmem:$0x1FED0] =	vst v10;
	_, v11, _ =	vpop (xrf1)  }
0x166: {  	v61 =	vsub.f32 $0.0e+00, v61;
	(erf) = vpow2.f32 v9;
	v49 =	vmul.f32 $1.442695020e+00, v57;
	v9 =	vld [tilespmem:s21+$0xFFFFFE80];
	[tilespmem:$0x1FEE0] =	vst v11  }
0x167: {  	(erf) = vpow2.f32 v7;
	(xrf1) =	vsort.dscd.msk.f32 $0xffff, v6, v0;
	v6 =	vsub.f32 $0.0e+00, v63;
	v7 =	vld [tilespmem:s21+$0xFFFFFF00]  }
0x168: {  	v61 =	vmul.f32 $1.442695020e+00, v61;
	v19 =	vpop (erf);
	v60 =	vsub.f32 $0.0e+00, v60  }
0x169: {  	(erf) = vpow2.f32 v49;
	v1 =	vld [tilespmem:s21+$0xFFFFFF80];
	v18 =	vpop (erf);
	v57 =	vmul.f32 $1.442695020e+00, v6;
	v58 =	vsub.f32 $0.0e+00, v58  }
0x16a: {  	v49 =	vpop (erf);
	(erf) = vpow2.f32 v61;
	v60 =	vmul.f32 $1.442695020e+00, v60  }
0x16b: {  	v6 =	vld [tilespmem:s21+$0x0];
	v62 =	vsub.f32 $0.0e+00, v62;
	v17 =	vpop (erf);
	v58 =	vmul.f32 $1.442695020e+00, v58;
	(erf) = vpow2.f32 v57  }
0x16c: {  	v57 =	vld [tilespmem:s21+$0x80];
	v9 =	vsub.f32 $0.0e+00, v9;
	(erf) = vpow2.f32 v60;
	v63 =	vsub.f32 $0.0e+00, v7  }
0x16d: {  	v61 =	vpop (erf);
	v62 =	vmul.f32 $1.442695020e+00, v62;
	(erf) = vpow2.f32 v58  }
0x16e: {  	v10 =	vsub.f32 $0.0e+00, v1;
	v60 =	vpop (erf);
	v9 =	vmul.f32 $1.442695020e+00, v9;
	v7 =	vmul.f32 $1.442695020e+00, v63  }
0x16f: {  	v58 =	vld [tilespmem:s21+$0x100];
	(erf) = vpow2.f32 v62;
	v15 =	vpop (erf)  }
0x170: {  	v11 =	vsub.f32 $0.0e+00, v6;
	v62 =	vld [tilespmem:$0x1FFB0];
	(erf) = vpow2.f32 v9;
	v9 =	vmul.f32 $1.442695020e+00, v10;
	v63 =	vpop (erf)  }
0x171: {  	v12 =	vsub.f32 $0.0e+00, v57;
	(erf) = vpow2.f32 v7;
	v16 =	vpop (erf)  }
0x172: {  	v11 =	vmul.f32 $1.442695020e+00, v11;
	(erf) = vpow2.f32 v9;
	v7, v6, _ =	vpop (xrf1)  }
0x173: {  	v12 =	vmul.f32 $1.442695020e+00, v12;
	v57 =	vperm.xlane v7, v4;
	v1, v13, _ =	vpop (xrf1)  }
0x174: {  	(erf) = vpow2.f32 v11;
	v10 =	vperm.xlane v6, v4;
	v7, v6, _ =	vpop (xrf1)  }
0x175: {  	(xrf1) =	vsort.ascd.msk.u32 $0xffff, v62, v45;
	v11 =	vsub.f32 $0.0e+00, v58;
	v62 =	vperm.xlane v1, v4;
	vm1 =	vge.f32 v7, v57  }
0x176: {  	v1 =	vperm.xlane v13, v4;
	v9 =	vsel vm1, v6, v10;
	v13, v6, _ =	vpop (xrf1)  }
0x177: {  	v14 =	vpop (erf);
	(erf) = vpow2.f32 v12;
	v57 =	vsel vm1, v7, v57;
	vm1 =	vge.f32 v13, v62  }
0x178: {  	v33, _, _ =	vpop (xrf2);
	v7 =	vmul.f32 $1.442695020e+00, v11;
	v12 =	vsel vm1, v13, v62;
	v13 =	vadd.f32 $1.000000000e+00, v20  }
0x179: {  	v11 =	vpop (erf);
	(xrf1) =	vsort.dscd.msk.f32 $0xffff, v57, v9  }
0x17a: {  	v53 =	vadd.f32 $1.000000000e+00, v53;
	v10 =	vsel vm1, v6, v1;
	v20 =	vpop (erf);
	(erf) = vpow2.f32 v7  }
0x17b: {  	v57 =	vadd.f32 $1.000000000e+00, v51;
	(xrf1) =	vsort.dscd.msk.f32 $0xffff, v12, v10;
	(erf) = vrcp.f32 v13;
	v12 =	vpop (erf)  }
0x17c: {  	v58 =	vadd.f32 $1.000000000e+00, v52;
	(erf) = vrcp.f32 v53;
	v13 =	vpop (erf)  }
0x17d: {  	v62 =	vadd.f32 $1.000000000e+00, v54;
	(erf) = vrcp.f32 v57;
	v10 =	vpop (erf)  }
0x17e: {  	v1 =	vadd.f32 $1.000000000e+00, v55;
	(erf) = vrcp.f32 v58;
	v52 =	vpop (erf)  }
0x17f: {  	v6 =	vadd.f32 $1.000000000e+00, v59;
	(erf) = vrcp.f32 v62;
	v53 =	vpop (erf)  }
0x180: {  	v19 =	vadd.f32 $1.000000000e+00, v19;
	v18 =	vadd.f32 $1.000000000e+00, v18;
	(erf) = vrcp.f32 v1;
	v54 =	vpop (erf)  }
0x181: {  	(erf) = vrcp.f32 v6;
	v57 =	vpop (erf)  }
0x182: {  	v51 =	vpop (erf);
	(erf) = vrcp.f32 v19;
	v19 =	vadd.f32 $1.000000000e+00, v49  }
0x183: {  	v17 =	vadd.f32 $1.000000000e+00, v17;
	v49 =	vpop (erf);
	(erf) = vrcp.f32 v18  }
0x184: {  	v18 =	vpop (erf);
	(erf) = vrcp.f32 v19  }
0x185: {  	v55 =	vpop (erf);
	(erf) = vrcp.f32 v17;
	v17 =	vadd.f32 $1.000000000e+00, v60  }
0x186: {  	_, v1, _ =	vpop (xrf1);
	v19 =	vadd.f32 $1.000000000e+00, v61  }
0x187: {  	v7, v8, _ =	vpop (xrf1)  }
0x188: {  	(erf) = vrcp.f32 v19;
	v19 =	vperm.xlane v7, v4;
	v58 =	vpop (erf)  }
0x189: {  	v15 =	vadd.f32 $1.000000000e+00, v15;
	v16 =	vadd.f32 $1.000000000e+00, v16;
	(erf) = vrcp.f32 v17;
	v17, v60, _ =	vpop (xrf1)  }
0x18a: {  	v29, _, _ =	vpop (xrf2);
	v14 =	vadd.f32 $1.000000000e+00, v14;
	v9 =	vadd.f32 $1.000000000e+00, v63;
	vm1 =	vge.f32 v17, v19  }
0x18b: {  	[tilespmem:$0x1FEF0] =	vst v1;
	v59 =	vperm.xlane v8, v4;
	v1 =	vpop (erf);
	(erf) = vrcp.f32 v15;
	v15 =	vsel vm1, v17, v19  }
0x18c: {  	v11 =	vadd.f32 $1.000000000e+00, v11;
	v17 =	vpop (erf);
	(erf) = vrcp.f32 v9  }
0x18d: {  	v19 =	vsel vm1, v60, v59;
	v6 =	vpop (erf);
	(erf) = vrcp.f32 v16;
	v16 =	vadd.f32 $1.000000000e+00, v20  }
0x18e: {  	v23 =	vmul.f32 $2.500000000e+00, v23;
	v12 =	vadd.f32 $1.000000000e+00, v12;
	v18 =	vadd.f32 v18, v50;
	(xrf1) =	vsort.dscd.msk.f32 $0xffff, v15, v19;
	v15 =	vpop (erf)  }
0x18f: {  	(v2sf) =	vpush v31, $0xF;
	v60 =	vadd.f32 v55, v50;
	(erf) = vrcp.f32 v14;
	v14 =	vpop (erf)  }
0x190: {  	(v2sf) =	vpush v33, $0xF;
	v61 =	vadd.f32 v58, v50;
	(xrf1) =	vsort.dscd.msk.f32 $0xffff, v18, v3;
	(erf) = vrcp.f32 v11;
	v11 =	vpop (erf)  }
0x191: {  	v13 =	vadd.f32 $1.000000000e+00, v13;
	v62 =	vadd.f32 v1, v50;
	(xrf1) =	vsort.dscd.msk.f32 $0xffff, v60, v3;
	(erf) = vrcp.f32 v16;
	v16 =	vpop (erf)  }
0x192: {  	v10 =	vadd.f32 $1.000000000e+00, v10;
	v17 =	vadd.f32 v17, v50;
	(xrf1) =	vsort.dscd.msk.f32 $0xffff, v61, v3;
	(erf) = vrcp.f32 v12;
	v12 =	vpop (erf)  }
0x193: {  	v63 =	vadd.f32 v6, v50;
	(xrf1) =	vsort.dscd.msk.f32 $0xffff, v62, v3;
	(erf) = vrcp.f32 v13;
	v13 =	vadd.f32 $1.000000000e+00, v52;
	v19 =	vpop (erf)  }
0x194: {  	v51 =	vadd.f32 $1.000000000e+00, v51;
	v6 =	vld.idx.msk [tilespmem:v45+s8+$0x0], $0xffff;
	v15 =	vadd.f32 v15, v50;
	(xrf1) =	vsort.dscd.msk.f32 $0xffff, v17, v3;
	v20 =	vpop (erf);
	(erf) = vrcp.f32 v10  }
0x195: {  	v61 =	vld [tilespmem:$0x1FF00];
	v14 =	vadd.f32 v14, v42;
	(xrf1) =	vsort.dscd.msk.f32 $0xffff, v63, v3;
	v52 =	vpop (erf);
	(erf) = vrcp.f32 v13;
	v13 =	vadd.f32 $1.000000000e+00, v54  }
0x196: {  	v23 =	vmul.f32 v34, v23;
	v30, _, _ =	vpop (xrf2);
	v7 =	vadd.f32 $1.000000000e+00, v53;
	v18 =	vadd.f32 $1.000000000e+00, v57;
	(xrf1) =	vsort.dscd.msk.f32 $0xffff, v15, v3;
	v15 =	vld.idx.msk [tilespmem:v25+s8+$0x0], $0xffff  }
0x197: {  	v49 =	vadd.f32 $1.000000000e+00, v49;
	v11 =	vadd.f32 v11, v43;
	(xrf1) =	vsort.dscd.msk.f32 $0xffff, v14, v5;
	v14 =	vld.idx.msk [tilespmem:v26+s8+$0x0], $0xffff;
	v54 =	vpop (erf)  }
0x198: {  	v1 =	vld.idx.msk [tilespmem:v46+s8+$0x0], $0xffff;
	v16 =	vadd.f32 v16, v42;
	v12 =	vadd.f32 v12, v43;
	(erf) = vrcp.f32 v7;
	v10 =	vpop (erf)  }
0x199: {  	v63 =	vld [tilespmem:$0x1FF20];
	v60 =	vadd.f32 v19, v42;
	v19 =	vsub.f32 v37, v6;
	(xrf1) =	vsort.dscd.msk.f32 $0xffff, v11, v2;
	(erf) = vrcp.f32 v13;
	v13 =	vpop (erf)  }
0x19a: {  	v6 =	vld [tilespmem:$0x1FF10];
	v20 =	vadd.f32 v20, v43;
	(xrf1) =	vsort.dscd.msk.f32 $0xffff, v16, v5;
	v16 =	vmul.f32 $2.500000000e+00, v61;
	(erf) = vrcp.f32 v18;
	v18 =	vpop (erf)  }
0x19b: {  	v7 =	vld.idx.msk [tilespmem:v24+s8+$0x0], $0xffff;
	v34 =	vsub.f32 v44, v15;
	v15 =	vadd.f32 v54, v43;
	(erf) = vrcp.f32 v51;
	v51 =	vpop (erf)  }
0x19c: {  	(xrf1) =	vsort.dscd.msk.f32 $0xffff, v12, v2;
	v33 =	vsub.f32 v48, v14;
	v14 =	vmul.f32 v36, v16;
	(erf) = vrcp.f32 v49;
	v49, v46, _ =	vpop (xrf1)  }
0x19d: {  	v59 =	vld.idx.msk [tilespmem:v27+s8+$0x0], $0xffff;
	v12 =	vadd.f32 v52, v42;
	(xrf1) =	vsort.dscd.msk.f32 $0xffff, v60, v5;
	v17 =	vpop (erf)  }
0x19e: {  	v47 =	vld.idx.msk [tilespmem:v47+s8+$0x0], $0xffff;
	(xrf1) =	vsort.dscd.msk.f32 $0xffff, v20, v2;
	v58, v52, _ =	vpop (xrf1)  }
0x19f: {  	v45 =	vsel vm0, v23, v32;
	(xrf1) =	vsort.dscd.msk.f32 $0xffff, v12, v5;
	v55 =	vpop (erf)  }
0x1a0: {  	v32 =	vsub.f32 v39, v7;
	v7 =	vmul.f32 $2.500000000e+00, v6;
	(xrf1) =	vsort.dscd.msk.f32 $0xffff, v15, v2;
	v12 =	vsel vm0, v14, v63;
	v14, v15, _ =	vpop (xrf1)  }
0x1a1: {  	v57 =	vpop (erf)  }
0x1a2: {  	v36 =	vsub.f32 v56, v59;
	v59 =	vmul.f32 v35, v7;
	v35, v39, _ =	vpop (xrf1)  }
0x1a3: {  	v23 =	vsub.f32 v40, v47;
	v40 =	vpop (erf)  }
0x1a4: {  	v62 =	vld.idx.msk [tilespmem:v46+s8+$0x0], $0xffff;
	v47 =	vpop (erf)  }
0x1a5: {  	v37 =	vpop (erf)  }
0x1a6: {  	v31 =	vsub.f32 v38, v1;
	v10 =	vadd.f32 v10, v42;
	v38 =	vpop (erf)  }
0x1a7: {  	v13 =	vadd.f32 v13, v43;
	v20 =	vpop (erf)  }
0x1a8: {  	v18 =	vadd.f32 v18, v42;
	v6 =	vadd.f32 v51, v43;
	(xrf1) =	vsort.dscd.msk.f32 $0xffff, v10, v5;
	v44 =	vpop (erf)  }
0x1a9: {  	v17 =	vadd.f32 v17, v42;
	(xrf1) =	vsort.dscd.msk.f32 $0xffff, v13, v2;
	v16 =	vsub.f32 v49, v62;
	v7, v49, _ =	vpop (xrf1)  }
0x1aa: {  	v13 =	vadd.f32 v55, v43;
	v60 =	vadd.f32 v57, v41;
	(xrf1) =	vsort.dscd.msk.f32 $0xffff, v18, v5;
	v51, v53, _ =	vpop (xrf1)  }
0x1ab: {  	v18 =	vadd.f32 v40, v41;
	(xrf1) =	vsort.dscd.msk.f32 $0xffff, v6, v2;
	v63 =	vadd.f32 v47, v41;
	v47, v54, _ =	vpop (xrf1)  }
0x1ac: {  	v37 =	vadd.f32 v37, v41;
	v38 =	vadd.f32 v38, v41;
	(xrf1) =	vsort.dscd.msk.f32 $0xffff, v17, v5;
	v61 =	vnsel vm0, $0x0, v16;
	v10, v50, _ =	vpop (xrf1)  }
0x1ad: {  	v1 =	vperm.xlane v52, v4;
	v20 =	vadd.f32 v20, v41;
	v41 =	vadd.f32 v44, v41;
	(xrf2) =	vadd.scan.msk.f32 $0xffff, v61;
	v44, v55, _ =	vpop (xrf1)  }
0x1ae: {  	v35 =	vperm.xlane v35, v4;
	v39 =	vperm.xlane v39, v4;
	v5, v3, _ =	vpop (xrf1);
	(xrf1) =	vsort.dscd.msk.f32 $0xffff, v13, v2  }
0x1af: {  	(v2sf) =	vpush v29, $0xF;
	v28, _, _ =	vpop (xrf2);
	v62 =	vld [tilespmem:$0x1FF30];
	v17 =	vperm.xlane v58, v4;
	v42 =	vperm.xlane v7, v4;
	(xrf1) =	vsort.dscd.msk.f32 $0xffff, v60, v0  }
0x1b0: {  	(v2sf) =	vpush v30, $0xF;
	v13 =	vperm.xlane v14, v4;
	v14 =	vperm.xlane v15, v4;
	v15, v43, _ =	vpop (xrf1);
	(xrf1) =	vsort.dscd.msk.f32 $0xffff, v18, v0  }
0x1b1: {  	(v2sf) =	vpush v28, $0xF;
	v28 =	vperm.xlane v51, v4;
	vm1 =	vge.f32 v5, v17;
	v18, v6, _ =	vpop (xrf1);
	(xrf1) =	vsort.dscd.msk.f32 $0xffff, v63, v0  }
0x1b2: {  	v30 =	vsel vm1, v3, v1;
	v7, v58, _ =	vpop (xrf1);
	vm2 =	vge.f32 v18, v13;
	(xrf1) =	vsort.dscd.msk.f32 $0xffff, v37, v0  }
0x1b3: {  	s22 =	spop (v2sf);
	v17 =	vsel vm1, v5, v17;
	v29, v9, _ =	vpop (xrf1);
	v14 =	vsel vm2, v6, v14;
	(xrf1) =	vsort.dscd.msk.f32 $0xffff, v38, v0  }
0x1b4: {  	s15 =	sadd.f32 $9.999999680e-21, s22;
	v11 =	vsel vm0, v59, v62;
	v13 =	vsel vm2, v18, v13;
	v18, v48, _ =	vpop (xrf1);
	(xrf1) =	vsort.dscd.msk.f32 $0xffff, v20, v0  }
0x1b5: {  	v62 =	vperm.xlane v49, v4;
	vm1 =	vge.f32 v29, v35;
	v20, v59, _ =	vpop (xrf1);
	(xrf1) =	vsort.dscd.msk.f32 $0xffff, v41, v0  }
0x1b6: {  	v56 =	vmov s15;
	v63 =	vperm.xlane v53, v4;
	v29 =	vsel vm1, v29, v35;
	(xrf1) =	vsort.dscd.msk.f32 $0xffff, v17, v30;
	v17, v30, _ =	vpop (xrf1)  }
0x1b7: {  	(erf) = vrcp.f32 v56;
	v60 =	vsel vm1, v9, v39;
	vm1 =	vge.f32 v20, v42;
	(xrf1) =	vsort.dscd.msk.f32 $0xffff, v13, v14;
	v13, v14, _ =	vpop (xrf1)  }
0x1b8: {  	v16 =	vmul.f32 $2.500000000e+00, v16;
	v61, _, _ =	vpop (xrf2);
	v37 =	vsel vm1, v59, v62;
	vm2 =	vge.f32 v13, v28  }
0x1b9: {  	v20 =	vsel vm1, v20, v42;
	(v2sf) =	vpush v61, $0xF;
	v14 =	vsel vm2, v14, v63  }
0x1ba: {  	v10 =	vperm.xlane v10, v4;
	v44 =	vperm.xlane v44, v4;
	v13 =	vsel vm2, v13, v28;
	v28, v42, _ =	vpop (xrf1)  }
0x1bb: {  	v2 =	vperm.xlane v50, v4;
	v0 =	vperm.xlane v47, v4;
	(xrf1) =	vsort.dscd.msk.f32 $0xffff, v29, v60;
	v29, v35, _ =	vpop (xrf1)  }
0x1bc: {  	s23 =	spop (v2sf);
	v52 =	vnsel vm0, $0x0, v31;
	v1 =	vperm.xlane v54, v4;
	v5 =	vperm.xlane v55, v4;
	(xrf1) =	vsort.dscd.msk.f32 $0xffff, v20, v37;
	v20, v37, _ =	vpop (xrf1)  }
0x1bd: {  	s15 =	sadd.f32 $9.999999680e-21, s23;
	v3 =	vnsel vm0, $0x0, v23;
	v15 =	vperm.xlane v15, v4;
	vm1 =	vge.f32 v29, v0;
	(xrf1) =	vsort.dscd.msk.f32 $0xffff, v13, v14;
	v13, v14, _ =	vpop (xrf1)  }
0x1be: {  	v43 =	vperm.xlane v43, v4;
	v35 =	vsel vm1, v35, v1;
	vm2 =	vge.f32 v13, v10  }
0x1bf: {  	v6 =	vmov s15;
	v29 =	vsel vm1, v29, v0;
	v14 =	vsel vm2, v14, v2  }
0x1c0: {  	(xrf2) =	vadd.scan.msk.f32 $0xffff, v3;
	v40 =	vperm.xlane v7, v4;
	v54 =	vperm.xlane v58, v4;
	v38 =	vpop (erf);
	v10 =	vsel vm2, v13, v10  }
0x1c1: {  	(xrf2) =	vadd.scan.msk.f32 $0xffff, v52;
	(erf) = vrcp.f32 v6;
	v18 =	vperm.xlane v18, v4;
	v13, v7, _ =	vpop (xrf1)  }
0x1c2: {  	s24 =	spop (v2sf);
	v51 =	vld [tilespmem:$0x1FFB0];
	v48 =	vperm.xlane v48, v4;
	v17 =	vperm.xlane v17, v4;
	(xrf1) =	vsort.dscd.msk.f32 $0xffff, v29, v35;
	v29, v35, _ =	vpop (xrf1)  }
0x1c3: {  	v53 =	vnsel vm0, $0x0, v19;
	s15 =	sadd.f32 $9.999999680e-21, s24;
	v61 =	vld [tilespmem:$0x1FF40];
	v30 =	vperm.xlane v30, v4;
	v28 =	vperm.xlane v28, v4;
	(xrf1) =	vsort.dscd.msk.f32 $0xffff, v10, v14;
	v10, v14, _ =	vpop (xrf1)  }
0x1c4: {  	(xrf2) =	vadd.scan.msk.f32 $0xffff, v53;
	v53 =	vld [tilespmem:$0x1FF50];
	v6 =	vperm.xlane v42, v4;
	vm1 =	vge.f32 v13, v44;
	vm2 =	vge.f32 v29, v15;
	v55, v56, _ =	vpop (xrf1)  }
0x1c5: {  	v41 =	vsel vm1, v7, v5;
	v5 =	vmov s15;
	v15 =	vsel vm2, v29, v15;
	v29, v57, _ =	vpop (xrf1)  }
0x1c6: {  	s25 =	spop (v2sf);
	v13 =	vsel vm1, v13, v44;
	(erf) = vrcp.f32 v5;
	vm1 =	vge.f32 v10, v40;
	v59, v58, _ =	vpop (xrf1)  }
0x1c7: {  	s26 =	spop (v2sf);
	v10 =	vsel vm1, v10, v40;
	v14 =	vsel vm1, v14, v54;
	vm1 =	vge.f32 v29, v17;
	v60, v44, _ =	vpop (xrf1)  }
0x1c8: {  	s17 =	sadd.f32 $9.999999680e-21, s25;
	v62 =	vmul.f32 $2.500000000e+00, v61;
	v37 =	vperm.xlane v37, v4;
	s18 =	spop (v2sf);
	v17 =	vsel vm1, v29, v17;
	v29, v63, _ =	vpop (xrf1);
	(xrf1) =	vsort.ascd.msk.u32 $0xffff, v51, v46  }
0x1c9: {  	v35 =	vsel vm2, v35, v43;
	vm2 =	vge.f32 v55, v18;
	v54 =	vmul.f32 $2.500000000e+00, v53;
	s28 =	sadd.f32 $9.999999680e-21, s18;
	(xrf1) =	vsort.dscd.msk.f32 $0xffff, v13, v41  }
0x1ca: {  	v18 =	vsel vm2, v55, v18;
	v47 =	vsel vm2, v56, v48;
	v56 =	vld [tilespmem:$0x1FF60];
	v13, v41, _ =	vpop (xrf1);
	(xrf1) =	vsort.dscd.msk.f32 $0xffff, v15, v35;
	v15 =	vmov s17  }
0x1cb: {  	v7, _, _ =	vpop (xrf2);
	v5 =	vld [tilespmem:$0x1FF80];
	v52 =	vsel vm1, v57, v30;
	(erf) = vrcp.f32 v15;
	v15 =	vmov s28  }
0x1cc: {  	vm1 =	vge.f32 v59, v28;
	v30 =	vmul.f32 v38, v62;
	(xrf1) =	vsort.dscd.msk.f32 $0xffff, v10, v14;
	v14 =	vpop (erf);
	(erf) = vrcp.f32 v15  }
0x1cd: {  	v55, _, _ =	vpop (xrf2);
	v28 =	vsel vm1, v59, v28;
	v29 =	vperm.xlane v29, v4;
	v35 =	vsel vm1, v58, v6  }
0x1ce: {  	v13 =	vperm.xlane v13, v4;
	v15 =	vperm.xlane v20, v4;
	(xrf1) =	vsort.dscd.msk.f32 $0xffff, v18, v47;
	v18, v20, _ =	vpop (xrf1)  }
0x1cf: {  	(v2sf) =	vpush v7, $0xF;
	v58 =	vld [tilespmem:$0x1FF70];
	v41 =	vperm.xlane v41, v4;
	v57 =	vmul.f32 $2.500000000e+00, v56;
	(xrf1) =	vsort.dscd.msk.f32 $0xffff, v17, v52;
	v10, v17, _ =	vpop (xrf1)  }
0x1d0: {  	v6 =	vsel vm0, v30, v5;
	v14 =	vmul.f32 v14, v54;
	v30 =	vperm.xlane v20, v4;
	v20 =	vpop (erf)  }
0x1d1: {  	v56 =	vmul.f32 $2.500000000e+00, v23;
	v18 =	vperm.xlane v18, v4;
	vm2 =	vge.f32 v60, v15;
	(xrf1) =	vsort.dscd.msk.f32 $0xffff, v28, v35;
	v28, v35, _ =	vpop (xrf1)  }
0x1d2: {  	v46 =	vld [tilespmem:$0x1FF90];
	v52 =	vmul.f32 $2.500000000e+00, v19;
	v15 =	vsel vm2, v60, v15;
	v37 =	vsel vm2, v44, v37;
	v62, v61, _ =	vpop (xrf1)  }
0x1d3: {  	(v2sf) =	vpush v55, $0xF;
	v10 =	vperm.xlane v10, v4;
	v60 =	vperm.xlane v63, v4;
	v63, _, _ =	vpop (xrf2);
	(xrf1) =	vsort.dscd.msk.f32 $0xffff, v15, v37  }
0x1d4: {  	s15 =	simm.s32 $0x8680;
	v14 =	vsel vm0, v14, v22;
	v20 =	vmul.f32 v20, v57;
	v59 =	vmul.f32 $2.500000000e+00, v58;
	v22 =	vpop (erf)  }
0x1d5: {  	[tilespmem:s15+$0x180] =	vst v45;
	v17 =	vperm.xlane v17, v4;
	v7 =	vperm.xlane v28, v4;
	(xrf1) =	vsort.ascd.msk.u32 $0xffff, v51, v24;
	v24 =	vpop (erf)  }
0x1d6: {  	[tilespmem:s14+$0xFFFFFE00] =	vst v12;
	v15, v48, _ =	vpop (xrf1);
	v22 =	vmul.f32 v22, v59;
	v16 =	vmul.f32 v24, v16  }
0x1d7: {  	(v2sf) =	vpush v63, $0xF;
	v49 =	vsel vm0, v20, v46;
	v58 =	vperm.xlane v62, v4;
	(xrf1) =	vsort.ascd.msk.u32 $0xffff, v51, v25;
	_, v24, _ =	vpop (xrf1)  }
0x1d8: {  	v62 =	vnsel vm0, $0x0, v33;
	(xrf1) =	vsort.ascd.msk.u32 $0xffff, v51, v26;
	v26 =	vsel vm0, v22, v21;
	v22 =	vnsel vm0, $0x0, v32;
	v20, v21, _ =	vpop (xrf1)  }
0x1d9: {  	v23 =	vperm.xlane v48, v4;
	v59 =	vperm.xlane v35, v4;
	(xrf2) =	vadd.scan.msk.f32 $0xffff, v22;
	vm1 =	vge.f32 v20, v29  }
0x1da: {  	(xrf1) =	vsort.ascd.msk.u32 $0xffff, v51, v27;
	v32 =	vmul.f32 $2.500000000e+00, v32;
	v50 =	vsel vm0, v16, v24;
	v16, v24, _ =	vpop (xrf1);
	v27 =	vsel vm1, v20, v29  }
0x1db: {  	[tilespmem:s14+$0xFFFFFE80] =	vst v11;
	v39 =	vsel vm1, v21, v60;
	v60 =	vnsel vm0, $0x0, v34;
	vm1 =	vge.f32 v16, v13;
	v21, v29, _ =	vpop (xrf1)  }
0x1dc: {  	[tilespmem:s14+$0xFFFFFF00] =	vst v6;
	v20 =	vsel vm1, v16, v13;
	v28 =	vsel vm1, v24, v41;
	vm1 =	vge.f32 v21, v18;
	v13, v16, _ =	vpop (xrf1)  }
0x1dd: {  	s29 =	sadd.f32 $9.999999680e-21, s26;
	[tilespmem:s14+$0xFFFFFF80] =	vst v14;
	v25 =	vsel vm1, v21, v18;
	v29 =	vsel vm1, v29, v30;
	vm1 =	vge.f32 v13, v10;
	v18, v21, _ =	vpop (xrf1)  }
0x1de: {  	[tilespmem:s14+$0x0] =	vst v49;
	v30 =	vsel vm1, v13, v10;
	vm2 =	vge.f32 v18, v7;
	v35 =	vsel vm1, v16, v17  }
0x1df: {  	v12, v13, _ =	vpop (xrf1);
	v16 =	vperm.xlane v61, v4;
	v17 =	vperm.xlane v15, v4;
	v61 =	vld [tilespmem:$0x1FFA0];
	[tilespmem:s14+$0x80] =	vst v26;
	v26 =	vmov s29  }
0x1e0: {  	(xrf1) =	vsort.dscd.msk.f32 $0xffff, v27, v39;
	v37 =	vsel vm2, v18, v7;
	vm1 =	vge.f32 v12, v58;
	v18 =	vnsel vm0, $0x0, v36  }
0x1e1: {  	(xrf2) =	vadd.scan.msk.f32 $0xffff, v60;
	v15 =	vmul.f32 $2.500000000e+00, v34;
	v38 =	vsel vm2, v21, v59;
	v21 =	vsel vm1, v12, v58;
	v10, v12, _ =	vpop (xrf1)  }
0x1e2: {  	s16 =	simm.s32 $0x8A80;
	s30 =	spop (v2sf);
	(xrf2) =	vadd.scan.msk.f32 $0xffff, v62;
	v22 =	vsel vm1, v13, v16;
	v16 =	vmul.f32 $2.500000000e+00, v36;
	vm1 =	vge.f32 v10, v17  }
0x1e3: {  	s19 =	sadd.f32 $9.999999680e-21, s30;
	s31 =	spop (v2sf);
	[tilespmem:s16+$0x180] =	vst v50;
	v24 =	vsel vm1, v10, v17;
	v17 =	vmul.f32 $2.500000000e+00, v31;
	v23 =	vsel vm1, v12, v23;
	v63, _, _ =	vpop (xrf2)  }
0x1e4: {  	s18 =	simm.s32 $0xE00;
	s17 =	simm.s32 $0x10;
	s20 =	sadd.f32 $9.999999680e-21, s31;
	(xrf2) =	vadd.scan.msk.f32 $0xffff, v18;
	v31 =	vmul.f32 $2.500000000e+00, v33;
	v55 =	vmul.f32 $2.500000000e+00, v61;
	(v2sf) =	vpush v63, $0xF;
	_, v18, _ =	vpop (xrf1)  }
.LBB2_3:
0x1e5: {  	v27 =	vld [tilespmem:s18+$0x1B0]  }
0x1e6: {  	(erf) = vrcp.f32 v26;
	v26 =	vld [tilespmem:s18+$0x190];
	_ =	sdelay $0x3  }
0x1e7: {  	(xrf1) =	vsort.dscd.msk.f32 $0xffff, v20, v28;
	v1 =	vmov s19;
	v27 =	vsub.f32 $0.0e+00, v27  }
0x1e8: {  	v28 =	vmov s20;
	(erf) = vrcp.f32 v1;
	v26 =	vsub.f32 $0.0e+00, v26;
	_, v0, _ =	vpop (xrf1);
	(xrf1) =	vsort.dscd.msk.f32 $0xffff, v25, v29;
	v29 =	vld [tilespmem:s18+$0x1A0]  }
0x1e9: {  	(erf) = vrcp.f32 v28;
	v27 =	vmul.f32 $1.442695020e+00, v27;
	(xrf1) =	vsort.dscd.msk.f32 $0xffff, v30, v35;
	v30 =	vld [tilespmem:s18+$0xFFFFFE30]  }
0x1ea: {  	[tilespmem:$0x1FEA0] =	vst v31;
	v31 =	vld [tilespmem:s18+$0x180];
	v26 =	vmul.f32 $1.442695020e+00, v26  }
0x1eb: {  	v33 =	vld [tilespmem:s18+$0xFFFFFEB0];
	(erf) = vpow2.f32 v27;
	(xrf1) =	vsort.dscd.msk.f32 $0xffff, v37, v38  }
0x1ec: {  	[tilespmem:$0x1FE40] =	vst v32;
	v32 =	vpop (erf);
	(erf) = vpow2.f32 v26  }
0x1ed: {  	v34 =	vld [tilespmem:s18+$0xFFFFFF30];
	v20, _, _ =	vpop (xrf2);
	v29 =	vsub.f32 $0.0e+00, v29  }
0x1ee: {  	v36 =	vld [tilespmem:s18+$0xFFFFFFB0];
	v28, _, _ =	vpop (xrf2);
	v30 =	vsub.f32 $0.0e+00, v30  }
0x1ef: {  	v7 =	vld [tilespmem:s18+$0x30];
	v31 =	vsub.f32 $0.0e+00, v31;
	_, v4, _ =	vpop (xrf1);
	v29 =	vmul.f32 $1.442695020e+00, v29  }
0x1f0: {  	v39 =	vld [tilespmem:s18+$0xB0];
	_, v5, _ =	vpop (xrf1);
	v27 =	vmul.f32 $1.442695020e+00, v30;
	v30 =	vsub.f32 $0.0e+00, v33  }
0x1f1: {  	v40 =	vld [tilespmem:s18+$0x130];
	v31 =	vmul.f32 $1.442695020e+00, v31;
	v33 =	vpop (erf);
	(erf) = vpow2.f32 v29  }
0x1f2: {  	v41 =	vld [tilespmem:s18+$0xFFFFFE10];
	v8 =	vsub.f32 $0.0e+00, v34;
	v35 =	vpop (erf);
	v2 =	vmul.f32 $1.442695020e+00, v30;
	(erf) = vpow2.f32 v27  }
0x1f3: {  	v42 =	vld [tilespmem:s18+$0xFFFFFE20];
	v26, v38, _ =	vpop (xrf1);
	v30 =	vsub.f32 $0.0e+00, v36;
	(erf) = vpow2.f32 v31  }
0x1f4: {  	v9 =	vld [tilespmem:s18+$0xFFFFFE90];
	v43 =	vsub.f32 $0.0e+00, v7;
	[tilespmem:$0x1FE90] =	vst v0;
	v0 =	vmul.f32 $1.442695020e+00, v8;
	v46 =	vpop (erf);
	(erf) = vpow2.f32 v2  }
0x1f5: {  	v44 =	vld [tilespmem:s18+$0xFFFFFEA0];
	[tilespmem:$0x1FEB0] =	vst v4;
	v4 =	vsub.f32 $0.0e+00, v39;
	v58 =	vpop (erf);
	v10 =	vmul.f32 $1.442695020e+00, v30  }
0x1f6: {  	v11 =	vld [tilespmem:s18+$0xFFFFFF10];
	s25 =	spop (v2sf);
	v40 =	vsub.f32 $0.0e+00, v40;
	v43 =	vmul.f32 $1.442695020e+00, v43;
	v27, v37, _ =	vpop (xrf1);
	(erf) = vpow2.f32 v0  }
0x1f7: {  	[tilespmem:$0x1FE30] =	vst v52;
	v45 =	vld [tilespmem:s18+$0xFFFFFF20];
	s19 =	sadd.f32 $9.999999680e-21, s25;
	v52 =	vmul.f32 $1.442695020e+00, v4;
	v29, v34, _ =	vpop (xrf1);
	(erf) = vpow2.f32 v10  }
0x1f8: {  	v47 =	vld [tilespmem:s18+$0xFFFFFF90];
	v54 =	vmul.f32 $1.442695020e+00, v40;
	v30, v2, _ =	vpop (xrf1);
	(erf) = vpow2.f32 v43  }
0x1f9: {  	v57 =	vld [tilespmem:s18+$0xFFFFFFA0];
	v63 =	vmov s19;
	v46 =	vadd.f32 $1.000000000e+00, v46;
	v31, v3, _ =	vpop (xrf1);
	(erf) = vpow2.f32 v52  }
0x1fa: {  	(v2sf) =	vpush v20, $0xF;
	v4 =	vld [tilespmem:$0x1FFB0];
	v40 =	vadd.f32 $1.000000000e+00, v58;
	(erf) = vpow2.f32 v54;
	v60 =	vpop (erf)  }
0x1fb: {  	v62 =	vld [tilespmem:s18+$0xA0];
	v53 =	vsub.f32 $0.0e+00, v42;
	(xrf1) =	vsort.dscd.msk.f32 $0xffff, v21, v22;
	v42 =	vadd.f32 $1.000000000e+00, v60;
	v50 =	vpop (erf);
	(erf) = vrcp.f32 v46  }
0x1fc: {  	v59 =	vld [tilespmem:s18+$0x20];
	v41 =	vsub.f32 $0.0e+00, v41;
	[tilespmem:$0x1FE20] =	vst v63;
	(xrf1) =	vsort.dscd.msk.f32 $0xffff, v24, v23;
	v63 =	vpop (erf);
	(erf) = vrcp.f32 v40  }
0x1fd: {  	v48 =	vld [tilespmem:s18+$0x10];
	v44 =	vsub.f32 $0.0e+00, v44;
	v45 =	vsub.f32 $0.0e+00, v45;
	(xrf1) =	vsort.ascd.msk.u32 $0xffff, v51, v38;
	v52 =	vpop (erf);
	(erf) = vrcp.f32 v42  }
0x1fe: {  	v49 =	vld [tilespmem:s18+$0x90];
	v61 =	vsub.f32 $0.0e+00, v47;
	(v2sf) =	vpush v28, $0xF;
	[tilespmem:$0x1FE10] =	vst v5  }
0x1ff: {  	v8 =	vld [tilespmem:s18+$0x120];
	v5 =	vsub.f32 $0.0e+00, v57;
	v36 =	vsub.f32 $0.0e+00, v9;
	v23 =	vmul.f32 $1.442695020e+00, v53;
	(xrf1) =	vsort.ascd.msk.u32 $0xffff, v4, v37;
	v53 =	vpop (erf)  }
0x200: {  	v41 =	vmul.f32 $1.442695020e+00, v41;
	v24 =	vsub.f32 $0.0e+00, v11;
	v11 =	vsub.f32 $0.0e+00, v62;
	v54 =	vld [tilespmem:s18+$0xFFFFFE80];
	v57 =	vpop (erf)  }
0x201: {  	[tilespmem:$0x1FE50] =	vst v18;
	v18 =	vld [tilespmem:$0x1FFC0];
	v44 =	vmul.f32 $1.442695020e+00, v44;
	v9 =	vsub.f32 $0.0e+00, v59;
	v51 =	vadd.f32 $1.000000000e+00, v63;
	v59 =	vpop (erf)  }
0x202: {  	v28 =	vmov v55;
	v55 =	vmul.f32 $1.442695020e+00, v45;
	v58 =	vmul.f32 $1.442695020e+00, v5;
	v42 =	vld [tilespmem:$0x8020];
	v47 =	vpop (erf)  }
0x203: {  	v45 =	vld [tilespmem:$0x8010];
	(erf) = vrcp.f32 v51;
	v51 =	vmul.f32 $1.442695020e+00, v61;
	v61 =	vpop (erf)  }
0x204: {  	v39 =	vld [tilespmem:$0x8030];
	v24 =	vmul.f32 $1.442695020e+00, v24;
	v4 =	vsub.f32 $0.0e+00, v8;
	v63 =	vmul.f32 $1.442695020e+00, v11;
	v11 =	vpop (erf)  }
0x205: {  	v62 =	vld [tilespmem:s18+$0xFFFFFF00];
	v46 =	vmul.f32 $1.442695020e+00, v36;
	v5 =	vsub.f32 $0.0e+00, v54;
	(erf) = vpow2.f32 v41;
	v41 =	vpop (erf)  }
0x206: {  	v7 =	vsub.f32 $0.0e+00, v48;
	v0 =	vmul.f32 $1.442695020e+00, v4;
	v4 =	vld [tilespmem:$0x1FFD0];
	(erf) = vpow2.f32 v23;
	v1 =	vpop (erf)  }
0x207: {  	(erf) = vpow2.f32 v46;
	v46 =	vmul.f32 $1.442695020e+00, v5;
	v5 =	vadd.f32 v1, v42;
	v1 =	vld [tilespmem:$0x1FFE0]  }
0x208: {  	v6, _, _ =	vpop (xrf2);
	v10 =	vsub.f32 $0.0e+00, v49;
	v49 =	vmul.f32 $1.442695020e+00, v7;
	v54 =	vld [tilespmem:s18+$0xFFFFFF80];
	(erf) = vpow2.f32 v44  }
0x209: {  	v25 =	vmov v17;
	(v2sf) =	vpush v6, $0xF;
	v36 =	vld [tilespmem:$0x8000];
	v40, v23, _ =	vpop (xrf1);
	(erf) = vpow2.f32 v24  }
0x20a: {  	v6 =	vld [tilespmem:s18+$0x110];
	v8 =	vadd.f32 v11, v39;
	v44 =	vadd.f32 v41, v45;
	(erf) = vpow2.f32 v55;
	v41, v24, _ =	vpop (xrf1)  }
0x20b: {  	v55 =	vadd.f32 $1.000000000e+00, v52;
	v52 =	vsub.f32 $0.0e+00, v62;
	v62 =	vld [tilespmem:s18+$0x100];
	(erf) = vpow2.f32 v51;
	_, v48, _ =	vpop (xrf1)  }
0x20c: {  	v17 =	vmov v56;
	v56 =	vmul.f32 $1.442695020e+00, v9;
	v9 =	vpop (erf);
	(erf) = vpow2.f32 v58;
	(xrf1) =	vsort.dscd.msk.f32 $0xffff, v8, v1  }
0x20d: {  	v13 =	vld [tilespmem:$0x1FFB0];
	v60 =	vmul.f32 $1.442695020e+00, v10;
	v10 =	vsub.f32 $0.0e+00, v54;
	(erf) = vpow2.f32 v49;
	_, v49, _ =	vpop (xrf1);
	(xrf1) =	vsort.dscd.msk.f32 $0xffff, v44, v4  }
0x20e: {  	v7 =	vld [tilespmem:s18+$0x80];
	v54 =	vadd.f32 $1.000000000e+00, v57;
	v57 =	vpop (erf);
	v8 =	vadd.f32 v9, v36;
	(xrf1) =	vsort.dscd.msk.f32 $0xffff, v5, v18  }
0x20f: {  	v21 =	vlaneseq.u32;
	v51 =	vpop (erf);
	v44 =	vld [tilespmem:s18+$0xFFFFFE00]  }
0x210: {  	v43 =	vsub.f32 $0.0e+00, v6;
	v6 =	vld [tilespmem:s18+$0x0];
	(erf) = vpow2.f32 v56;
	v9 =	vsub.f32 $0.0e+00, v62;
	v62 =	vpop (erf);
	(xrf1) =	vsort.dscd.msk.f32 $0xffff, v8, v21  }
0x211: {  	[tilespmem:$0x1FE60] =	vst v2;
	v14 =	vld.idx.msk [tilespmem:v2+s8+$0x0], $0xffff;
	v2 =	vpop (erf)  }
0x212: {  	v43 =	vmul.f32 $1.442695020e+00, v43;
	v38 =	vld.idx.msk [tilespmem:v38+s8+$0x0], $0xffff;
	v58 =	vmul.f32 $1.442695020e+00, v52;
	v52 =	vpop (erf)  }
0x213: {  	v37 =	vld.idx.msk [tilespmem:v37+s8+$0x0], $0xffff;
	v5 =	vmul.f32 $1.442695020e+00, v9;
	(erf) = vpow2.f32 v60;
	v9 =	vadd.f32 $1.000000000e+00, v51;
	v51 =	vpop (erf)  }
0x214: {  	v7 =	vsub.f32 $0.0e+00, v7;
	v11 =	vpop (erf);
	(erf) = vpow2.f32 v63;
	v44 =	vsub.f32 $0.0e+00, v44  }
0x215: {  	v6 =	vsub.f32 $0.0e+00, v6;
	v8 =	vld.idx.msk [tilespmem:v34+s8+$0x0], $0xffff;
	v63 =	vadd.f32 $1.000000000e+00, v51;
	v51 =	vpop (erf);
	(erf) = vpow2.f32 v43  }
0x216: {  	v43 =	vadd.f32 $1.000000000e+00, v51;
	v51 =	vpop (erf);
	(erf) = vpow2.f32 v0;
	v0 =	vld [tilespmem:$0x1FFF0];
	v44 =	vmul.f32 $1.442695020e+00, v44  }
0x217: {  	v22 =	vmov v16;
	[tilespmem:$0x1FE70] =	vst v3;
	v3 =	vld.idx.msk [tilespmem:v3+s8+$0x0], $0xffff;
	v7 =	vmul.f32 $1.442695020e+00, v7  }
0x218: {  	v6 =	vmul.f32 $1.442695020e+00, v6;
	v16 =	vsub.f32 v26, v38;
	v12 =	vsub.f32 v27, v37;
	(xrf1) =	vsort.ascd.msk.u32 $0xffff, v13, v34  }
0x219: {  	[tilespmem:$0x1FE80] =	vst v15;
	v15 =	vsub.f32 v30, v14;
	v56 =	vmul.f32 $1.442695020e+00, v10;
	v26 =	vpop (erf);
	(erf) = vpow2.f32 v44  }
0x21a: {  	v19 =	vadd.f32 $1.000000000e+00, v52;
	v52 =	vadd.f32 $1.000000000e+00, v26;
	(erf) = vpow2.f32 v46;
	v26, v27, _ =	vpop (xrf1)  }
0x21b: {  	v8 =	vsub.f32 v29, v8;
	(erf) = vpow2.f32 v58;
	v26 =	vperm.xlane v26, v0;
	v29, v44, _ =	vpop (xrf1)  }
0x21c: {  	v3 =	vsub.f32 v31, v3;
	(erf) = vpow2.f32 v56;
	v27 =	vperm.xlane v27, v0;
	v30, v46, _ =	vpop (xrf1)  }
0x21d: {  	v56 =	vpop (erf);
	(erf) = vpow2.f32 v6;
	v29 =	vperm.xlane v29, v0;
	vm1 =	vge.f32 v30, v26  }
0x21e: {  	v31 =	vperm.xlane v44, v0;
	v26 =	vsel vm1, v30, v26;
	v27 =	vsel vm1, v46, v27;
	v30, v58, _ =	vpop (xrf1)  }
0x21f: {  	v50 =	vadd.f32 $1.000000000e+00, v50;
	v37 =	vpop (erf);
	(erf) = vpow2.f32 v7;
	vm1 =	vge.f32 v30, v29;
	(xrf1) =	vsort.dscd.msk.f32 $0xffff, v26, v27  }
0x220: {  	v60 =	vld.idx.msk [tilespmem:v23+s8+$0x0], $0xffff;
	v38 =	vpop (erf);
	(erf) = vpow2.f32 v5;
	v13 =	vsel vm1, v30, v29;
	v27 =	vsel vm1, v58, v31  }
0x221: {  	v53 =	vadd.f32 $1.000000000e+00, v53;
	(erf) = vrcp.f32 v50;
	v29 =	vpop (erf);
	(xrf1) =	vsort.dscd.msk.f32 $0xffff, v13, v27  }
0x222: {  	v26 =	vpop (erf);
	(erf) = vrcp.f32 v55  }
0x223: {  	v58 =	vadd.f32 $1.000000000e+00, v26;
	v26 =	vpop (erf);
	(erf) = vrcp.f32 v53  }
0x224: {  	v59 =	vadd.f32 $1.000000000e+00, v59;
	v53 =	vadd.f32 $1.000000000e+00, v26;
	v26 =	vpop (erf)  }
0x225: {  	v55 =	vsub.f32 v40, v60;
	v60 =	vadd.f32 $1.000000000e+00, v26;
	v26 =	vpop (erf);
	(erf) = vrcp.f32 v54  }
0x226: {  	v20 =	vmul.f32 $2.500000000e+00, v16;
	v47 =	vadd.f32 $1.000000000e+00, v47;
	v61 =	vadd.f32 $1.000000000e+00, v61;
	_, v34, _ =	vpop (xrf1)  }
0x227: {  	v57 =	vadd.f32 $1.000000000e+00, v57;
	v54 =	vadd.f32 $1.000000000e+00, v26;
	v26 =	vpop (erf);
	(erf) = vrcp.f32 v59  }
0x228: {  	v62 =	vadd.f32 $1.000000000e+00, v62;
	v13 =	vadd.f32 $1.000000000e+00, v26;
	v26 =	vpop (erf);
	(erf) = vrcp.f32 v47  }
0x229: {  	v2 =	vadd.f32 $1.000000000e+00, v2;
	v59 =	vadd.f32 $1.000000000e+00, v26;
	v26 =	vpop (erf);
	(erf) = vrcp.f32 v61  }
0x22a: {  	v11 =	vadd.f32 $1.000000000e+00, v11;
	v61 =	vadd.f32 $1.000000000e+00, v26;
	(erf) = vrcp.f32 v57;
	v26 =	vpop (erf)  }
0x22b: {  	v51 =	vadd.f32 $1.000000000e+00, v51;
	v6 =	vadd.f32 $1.000000000e+00, v56;
	(erf) = vrcp.f32 v9;
	v40 =	vpop (erf)  }
0x22c: {  	v7 =	vadd.f32 $1.000000000e+00, v37;
	v37 =	vnsel vm0, $0x0, v8;
	(erf) = vrcp.f32 v62;
	v14 =	vpop (erf)  }
0x22d: {  	v5 =	vadd.f32 $1.000000000e+00, v38;
	v9 =	vadd.f32 v40, v39;
	(erf) = vrcp.f32 v2;
	v50, v40, _ =	vpop (xrf1)  }
0x22e: {  	v46 =	vnsel vm0, $0x0, v16;
	(erf) = vrcp.f32 v19;
	v19 =	vpop (erf);
	v2 =	vperm.xlane v50, v0  }
0x22f: {  	v62 =	vadd.f32 v14, v39;
	(erf) = vrcp.f32 v63;
	v16 =	vperm.xlane v40, v0;
	v63, v14, _ =	vpop (xrf1)  }
0x230: {  	v57 =	vadd.f32 v26, v39;
	(erf) = vrcp.f32 v11;
	v40 =	vpop (erf);
	vm1 =	vge.f32 v63, v2  }
0x231: {  	v19 =	vadd.f32 v19, v39;
	(erf) = vrcp.f32 v43;
	v16 =	vsel vm1, v14, v16;
	v14 =	vpop (erf)  }
0x232: {  	v50 =	vmul.f32 $2.500000000e+00, v8;
	v11 =	vadd.f32 v40, v39;
	v2 =	vsel vm1, v63, v2;
	v8 =	vpop (erf)  }
0x233: {  	(erf) = vrcp.f32 v51;
	v14 =	vadd.f32 v14, v39;
	(xrf1) =	vsort.dscd.msk.f32 $0xffff, v2, v16;
	v2 =	vadd.f32 v8, v39;
	v39 =	vpop (erf)  }
0x234: {  	v30 =	vnsel vm0, $0x0, v3;
	v56 =	vadd.f32 $1.000000000e+00, v29;
	(erf) = vrcp.f32 v52;
	v51 =	vpop (erf)  }
0x235: {  	v10 =	vld.idx.msk [tilespmem:v24+s8+$0x0], $0xffff;
	v29 =	vnsel vm0, $0x0, v55;
	v40 =	vmul.f32 $2.500000000e+00, v3;
	(erf) = vrcp.f32 v6;
	v52 =	vpop (erf)  }
0x236: {  	v63 =	vadd.f32 v39, v45;
	v39 =	vmul.f32 $2.500000000e+00, v55;
	(erf) = vrcp.f32 v7;
	v55 =	vpop (erf)  }
0x237: {  	(xrf1) =	vsort.dscd.msk.f32 $0xffff, v57, v1;
	v3 =	vadd.f32 v51, v42;
	(erf) = vrcp.f32 v5;
	v7 =	vadd.f32 v55, v42;
	v51 =	vpop (erf);
	v55 =	vld [tilespmem:$0x1FED0]  }
0x238: {  	v6 =	vadd.f32 v52, v45;
	v52 =	vmul.f32 v33, v17;
	v17 =	vpop (erf);
	(erf) = vrcp.f32 v56;
	v56 =	vld [tilespmem:$0x1FEE0]  }
0x239: {  	v16 =	vmul.f32 v35, v25;
	v33 =	vadd.f32 v17, v42;
	v17 =	vpop (erf)  }
0x23a: {  	v10 =	vsub.f32 v41, v10;
	v35 =	vadd.f32 v17, v45;
	v17 =	vpop (erf)  }
0x23b: {  	v8 =	vadd.f32 v51, v45;
	v51 =	vadd.f32 v17, v42;
	v17 =	vld [tilespmem:$0x1FEC0]  }
0x23c: {  	v27 =	vnsel vm0, $0x0, v10;
	v5 =	vmul.f32 $2.500000000e+00, v10;
	v10 =	vsel vm0, v52, v55  }
0x23d: {  	v31 =	vnsel vm0, $0x0, v15;
	v43 =	vmul.f32 $2.500000000e+00, v15;
	[tilespmem:s15+$0xFFFFFE00] =	vst v10;
	v10 =	vsel vm0, v16, v56;
	v16 =	vpop (erf)  }
0x23e: {  	v15 =	vmul.f32 v32, v28;
	(erf) = vrcp.f32 v58;
	v52 =	vadd.f32 v16, v45;
	v16 =	vld [tilespmem:$0x1FE10]  }
0x23f: {  	(xrf1) =	vsort.dscd.msk.f32 $0xffff, v9, v1;
	(erf) = vrcp.f32 v53  }
0x240: {  	(xrf1) =	vsort.dscd.msk.f32 $0xffff, v62, v1;
	(erf) = vrcp.f32 v60;
	v58 =	vpop (erf);
	v15 =	vsel vm0, v15, v17  }
0x241: {  	(xrf1) =	vsort.dscd.msk.f32 $0xffff, v19, v1;
	(erf) = vrcp.f32 v54;
	v60 =	vpop (erf)  }
0x242: {  	v19 =	vmov v49;
	(xrf1) =	vsort.dscd.msk.f32 $0xffff, v11, v1;
	(erf) = vrcp.f32 v13;
	v13 =	vpop (erf)  }
0x243: {  	(xrf1) =	vsort.dscd.msk.f32 $0xffff, v14, v1;
	(erf) = vrcp.f32 v59;
	v14, v32, _ =	vpop (xrf1);
	[tilespmem:s14+$0x100] =	vst v15;
	v15 =	vmov v16  }
0x244: {  	(erf) = vrcp.f32 v61;
	v61 =	vpop (erf)  }
0x245: {  	[tilespmem:$0x1FEE0] =	vst v19;
	(xrf1) =	vsort.dscd.msk.f32 $0xffff, v2, v1;
	v19, v28, _ =	vpop (xrf1)  }
0x246: {  	(xrf1) =	vsort.dscd.msk.f32 $0xffff, v63, v4;
	[tilespmem:$0x1FEC0] =	vst v15;
	v15 =	vpop (erf)  }
0x247: {  	v44 =	vnsel vm0, $0x0, v12;
	(xrf1) =	vsort.dscd.msk.f32 $0xffff, v3, v18;
	v62 =	vpop (erf)  }
0x248: {  	v12 =	vmul.f32 $2.500000000e+00, v12;
	v9 =	vadd.f32 v58, v42;
	v16 =	vmov v5;
	(xrf1) =	vsort.dscd.msk.f32 $0xffff, v6, v4;
	v5 =	vpop (erf)  }
0x249: {  	[tilespmem:s15+$0xFFFFFE80] =	vst v10;
	v10 =	vadd.f32 v60, v45;
	v13 =	vadd.f32 v13, v42;
	(xrf1) =	vsort.dscd.msk.f32 $0xffff, v7, v18;
	v6 =	vpop (erf)  }
0x24a: {  	v11 =	vadd.f32 v61, v45;
	(xrf1) =	vsort.dscd.msk.f32 $0xffff, v8, v4;
	v15 =	vadd.f32 v15, v42;
	v42 =	vld.idx.msk [tilespmem:v32+s8+$0x0], $0xffff;
	v45 =	vpop (erf)  }
0x24b: {  	v25 =	vmov v48;
	(xrf1) =	vsort.dscd.msk.f32 $0xffff, v33, v18;
	v1 =	vadd.f32 v62, v36;
	v48 =	vpop (erf)  }
0x24c: {  	(xrf1) =	vsort.dscd.msk.f32 $0xffff, v35, v4;
	v2 =	vadd.f32 v5, v36;
	v3 =	vadd.f32 v6, v36;
	v49 =	vpop (erf)  }
0x24d: {  	v17 =	vmov v12;
	(xrf1) =	vsort.dscd.msk.f32 $0xffff, v51, v18;
	v6 =	vadd.f32 v45, v36;
	v7 =	vadd.f32 v48, v36;
	v12 =	vpop (erf)  }
0x24e: {  	v33 =	vperm.xlane v28, v0;
	v28, v53, _ =	vpop (xrf1);
	v8 =	vadd.f32 v49, v36;
	v12 =	vadd.f32 v12, v36  }
0x24f: {  	v36 =	vperm.xlane v28, v0;
	v28 =	vsub.f32 v14, v42;
	v5, v14, _ =	vpop (xrf1);
	(xrf1) =	vsort.dscd.msk.f32 $0xffff, v52, v4  }
0x250: {  	v57, v54, _ =	vpop (xrf1);
	(xrf1) =	vsort.dscd.msk.f32 $0xffff, v9, v18  }
0x251: {  	v19 =	vperm.xlane v19, v0;
	v58 =	vnsel vm0, $0x0, v28;
	v59, v60, _ =	vpop (xrf1);
	(xrf1) =	vsort.dscd.msk.f32 $0xffff, v10, v4  }
0x252: {  	v35 =	vperm.xlane v53, v0;
	v5 =	vperm.xlane v5, v0;
	v62, v61, _ =	vpop (xrf1);
	(xrf2) =	vadd.scan.msk.f32 $0xffff, v58  }
0x253: {  	v9 =	vperm.xlane v14, v0;
	v14 =	vperm.xlane v57, v0;
	(xrf1) =	vsort.dscd.msk.f32 $0xffff, v13, v18;
	v13, v63, _ =	vpop (xrf1)  }
0x254: {  	v10 =	vperm.xlane v54, v0;
	v45 =	vperm.xlane v59, v0;
	v58, v57, _ =	vpop (xrf1);
	(xrf1) =	vsort.dscd.msk.f32 $0xffff, v11, v4  }
0x255: {  	v42 =	vperm.xlane v60, v0;
	v48 =	vperm.xlane v62, v0;
	v60, v59, _ =	vpop (xrf1);
	(xrf1) =	vsort.dscd.msk.f32 $0xffff, v15, v18;
	v15 =	vld [tilespmem:$0x1FE20]  }
0x256: {  	v51 =	vperm.xlane v61, v0;
	v49 =	vperm.xlane v63, v0;
	v61, v53, _ =	vpop (xrf1)  }
0x257: {  	v11 =	vperm.xlane v58, v0;
	vm1 =	vge.f32 v60, v19;
	(xrf1) =	vsort.dscd.msk.f32 $0xffff, v1, v21;
	v63, v62, _ =	vpop (xrf1)  }
0x258: {  	[tilespmem:$0x1FED0] =	vst v25;
	v4 =	vperm.xlane v57, v0;
	(xrf1) =	vsort.dscd.msk.f32 $0xffff, v2, v21;
	v25 =	vsel vm1, v59, v33;
	v54, v33, _ =	vpop (xrf1)  }
0x259: {  	v19 =	vsel vm1, v60, v19;
	vm1 =	vge.f32 v63, v36;
	(xrf1) =	vsort.dscd.msk.f32 $0xffff, v3, v21;
	v58, v57, _ =	vpop (xrf1)  }
0x25a: {  	s26 =	spop (v2sf);
	v1 =	vperm.xlane v61, v0;
	(xrf1) =	vsort.dscd.msk.f32 $0xffff, v6, v21;
	v59 =	vsel vm1, v62, v35;
	(erf) = vrcp.f32 v15;
	v35, v52, _ =	vpop (xrf1)  }
0x25b: {  	s28 =	spop (v2sf);
	v2 =	vsel vm1, v63, v36;
	vm1 =	vge.f32 v58, v5;
	(xrf1) =	vsort.dscd.msk.f32 $0xffff, v7, v21;
	v61, v60, _ =	vpop (xrf1)  }
0x25c: {  	s21 =	spop (v2sf);
	v5 =	vsel vm1, v58, v5;
	(xrf1) =	vsort.dscd.msk.f32 $0xffff, v8, v21;
	v63, _, _ =	vpop (xrf2)  }
0x25d: {  	s22 =	spop (v2sf);
	v62 =	vsel vm1, v57, v9;
	vm1 =	vge.f32 v61, v14;
	(xrf1) =	vsort.dscd.msk.f32 $0xffff, v12, v21;
	(v2sf) =	vpush v63, $0xF  }
0x25e: {  	v13 =	vperm.xlane v13, v0;
	v12 =	vsel vm1, v61, v14;
	(xrf1) =	vsort.dscd.msk.f32 $0xffff, v19, v25;
	v14, v19, _ =	vpop (xrf1)  }
0x25f: {  	v3 =	vperm.xlane v54, v0;
	v15 =	vld [tilespmem:$0x1FE30];
	v10 =	vsel vm1, v60, v10;
	(xrf1) =	vsort.dscd.msk.f32 $0xffff, v2, v59;
	v2, v6, _ =	vpop (xrf1)  }
0x260: {  	v7 =	vperm.xlane v35, v0;
	v9 =	vperm.xlane v53, v0;
	v54, v57, _ =	vpop (xrf1)  }
0x261: {  	v25 =	vperm.xlane v33, v0;
	v33 =	vperm.xlane v52, v0;
	(xrf1) =	vsort.dscd.msk.f32 $0xffff, v5, v62;
	v5, v8, _ =	vpop (xrf1)  }
0x262: {  	v14 =	vperm.xlane v14, v0;
	vm1 =	vge.f32 v2, v45;
	(xrf1) =	vsort.dscd.msk.f32 $0xffff, v12, v10;
	v10, v12, _ =	vpop (xrf1)  }
0x263: {  	s19 =	sadd.f32 $9.999999680e-21, s26;
	v2 =	vsel vm1, v2, v45;
	v6 =	vsel vm1, v6, v42;
	vm1 =	vge.f32 v5, v48;
	v58 =	vpop (erf)  }
0x264: {  	(xrf2) =	vadd.scan.msk.f32 $0xffff, v46;
	v19 =	vperm.xlane v19, v0;
	v5 =	vsel vm1, v5, v48;
	v59, v60, _ =	vpop (xrf1);
	v42 =	vmul.f32 v58, v15  }
0x265: {  	v47 =	vmov s19;
	v15 =	vsel vm1, v8, v51;
	vm1 =	vge.f32 v59, v13;
	v62, v61, _ =	vpop (xrf1);
	(xrf1) =	vsort.dscd.msk.f32 $0xffff, v2, v6  }
0x266: {  	s20 =	sadd.f32 $9.999999680e-21, s28;
	v35 =	vperm.xlane v54, v0;
	(erf) = vrcp.f32 v47;
	v63 =	vsel vm1, v59, v13;
	v13, v45, _ =	vpop (xrf1);
	(xrf1) =	vsort.dscd.msk.f32 $0xffff, v5, v15  }
0x267: {  	(xrf2) =	vadd.scan.msk.f32 $0xffff, v44;
	v36 =	vperm.xlane v57, v0;
	v18 =	vsel vm1, v60, v49;
	vm1 =	vge.f32 v62, v11;
	v49, v48, _ =	vpop (xrf1)  }
0x268: {  	v41 =	vmov s20;
	v51 =	vld [tilespmem:$0x1FFB0];
	vm2 =	vge.f32 v13, v1;
	(xrf1) =	vsort.dscd.msk.f32 $0xffff, v63, v18;
	v53 =	vsel vm1, v62, v11;
	v54, v57, _ =	vpop (xrf1)  }
0x269: {  	v4 =	vsel vm1, v61, v4;
	vm1 =	vge.f32 v49, v3;
	v1 =	vsel vm2, v13, v1;
	v13, v58, _ =	vpop (xrf1)  }
0x26a: {  	v9 =	vsel vm2, v45, v9;
	vm2 =	vge.f32 v54, v7;
	v59 =	vsel vm1, v48, v25;
	v8, v25, _ =	vpop (xrf1)  }
0x26b: {  	s21 =	sadd.f32 $9.999999680e-21, s21;
	v3 =	vsel vm1, v49, v3;
	vm1 =	vge.f32 v13, v14;
	v60 =	vsel vm2, v57, v33;
	v11, v33, _ =	vpop (xrf1)  }
0x26c: {  	s22 =	sadd.f32 $9.999999680e-21, s22;
	(xrf2) =	vadd.scan.msk.f32 $0xffff, v37;
	(erf) = vrcp.f32 v41;
	v13 =	vsel vm1, v13, v14;
	v14 =	vsel vm1, v58, v19;
	v19, v44, _ =	vpop (xrf1);
	s29 =	spop (v2sf)  }
0x26d: {  	v38 =	vmov s21;
	v10 =	vperm.xlane v10, v0;
	v62, v61, _ =	vpop (xrf1);
	(xrf1) =	vsort.ascd.msk.u32 $0xffff, v51, v32;
	s19 =	sadd.f32 $9.999999680e-21, s29  }
0x26e: {  	v26 =	vmov s22;
	v63, _, _ =	vpop (xrf2);
	v6 =	vsel vm2, v54, v7;
	(xrf1) =	vsort.dscd.msk.f32 $0xffff, v53, v4;
	v54 =	vperm.xlane v61, v0;
	v61 =	vld [tilespmem:$0x1FE40]  }
0x26f: {  	v12 =	vperm.xlane v12, v0;
	v15 =	vld [tilespmem:$0x1FEF0];
	v53 =	vpop (erf);
	(erf) = vrcp.f32 v38;
	(xrf1) =	vsort.dscd.msk.f32 $0xffff, v1, v9;
	v57 =	vmov s19  }
0x270: {  	vm2 =	vge.f32 v8, v35;
	vm1 =	vge.f32 v11, v10;
	v38 =	vld [tilespmem:$0x1FE50];
	v1, v9, _ =	vpop (xrf1);
	(xrf1) =	vsort.dscd.msk.f32 $0xffff, v3, v59;
	(erf) = vrcp.f32 v57  }
0x271: {  	v55 =	vmov v22;
	v41 =	vld [tilespmem:$0x1FE60];
	v8 =	vsel vm2, v8, v35;
	v25 =	vsel vm2, v25, v36;
	v3, v5, _ =	vpop (xrf1);
	(xrf1) =	vsort.dscd.msk.f32 $0xffff, v6, v60  }
0x272: {  	v56 =	vmov v20;
	v10 =	vsel vm1, v11, v10;
	v12 =	vsel vm1, v33, v12;
	v59, _, _ =	vpop (xrf2);
	(xrf1) =	vsort.dscd.msk.f32 $0xffff, v13, v14  }
0x273: {  	v36 =	vperm.xlane v44, v0;
	(v2sf) =	vpush v63, $0xF;
	v44 =	vld [tilespmem:$0x1FE80];
	v60, v13, _ =	vpop (xrf1);
	v4 =	vmul.f32 v53, v61;
	(xrf1) =	vsort.dscd.msk.f32 $0xffff, v8, v25  }
0x274: {  	v46 =	vld [tilespmem:$0x1FEA0];
	v58 =	vsel vm0, v42, v15;
	(v2sf) =	vpush v59, $0xF;
	v63 =	vperm.xlane v13, v0;
	v37, v13, _ =	vpop (xrf1);
	(xrf1) =	vsort.dscd.msk.f32 $0xffff, v10, v12  }
0x275: {  	v45 =	vld [tilespmem:$0x1FE90];
	v19 =	vperm.xlane v19, v0;
	v11 =	vperm.xlane v62, v0;
	v42 =	vpop (erf);
	v18 =	vsel vm0, v4, v38  }
0x276: {  	v32 =	vmov v43;
	v43 =	vld [tilespmem:$0x1FE70];
	v1 =	vperm.xlane v1, v0;
	v9 =	vperm.xlane v9, v0;
	v10, v12, _ =	vpop (xrf1);
	(xrf1) =	vsort.ascd.msk.u32 $0xffff, v51, v41  }
0x277: {  	s14 =	smov.u32 s15;
	v52 =	vmov v50;
	v48 =	vld [tilespmem:$0x1FEB0];
	v3 =	vperm.xlane v3, v0;
	v5 =	vperm.xlane v5, v0;
	v14, _, _ =	vpop (xrf2)  }
0x278: {  	v22 =	vmul.f32 v42, v44;
	(v2sf) =	vpush v14, $0xF;
	v14 =	vmul.f32 $2.500000000e+00, v28;
	[tilespmem:s14+$0xFFFFFF80] =	vst v18;
	v18 =	vpop (erf)  }
0x279: {  	v15 =	vmov v34;
	(xrf2) =	vadd.scan.msk.f32 $0xffff, v31;
	v62 =	vperm.xlane v60, v0;
	v8 =	vperm.xlane v37, v0;
	v21 =	vpop (erf)  }
0x27a: {  	[tilespmem:s14+$0xFFFFFF00] =	vst v58;
	v22 =	vsel vm0, v22, v45;
	v25 =	vmul.f32 v18, v46;
	v21 =	vmul.f32 v21, v14  }
0x27b: {  	[tilespmem:$0x1FEF0] =	vst v15;
	v13 =	vperm.xlane v13, v0;
	v10 =	vperm.xlane v10, v0;
	(xrf1) =	vsort.ascd.msk.u32 $0xffff, v51, v43;
	_, v47, _ =	vpop (xrf1)  }
0x27c: {  	v15 =	vmov v40;
	v12 =	vperm.xlane v12, v0;
	(xrf1) =	vsort.ascd.msk.u32 $0xffff, v51, v23;
	v23 =	vsel vm0, v25, v48;
	v14, v20, _ =	vpop (xrf1)  }
0x27d: {  	v31 =	vmov v39;
	v49 =	vsel vm0, v21, v47;
	vm1 =	vge.f32 v14, v19;
	v50, v18, _ =	vpop (xrf1);
	(xrf1) =	vsort.ascd.msk.u32 $0xffff, v51, v24  }
0x27e: {  	s17 =	sadd.s32 $0x8, s17;
	[tilespmem:s14+$0x0] =	vst v22;
	v14 =	vsel vm1, v14, v19;
	v19 =	vsel vm1, v20, v36;
	vm1 =	vge.f32 v50, v11;
	v21, v22, _ =	vpop (xrf1)  }
0x27f: {  	p0 =	slt.u32 s17, $0xF8;
	(xrf2) =	vadd.scan.msk.f32 $0xffff, v30;
	v20 =	vsel vm1, v50, v11;
	v28 =	vsel vm1, v18, v54;
	vm1 =	vge.f32 v21, v1;
	v53, v54, _ =	vpop (xrf1)  }
.Ltmp0:
0x280: {  	(xrf2) =	vadd.scan.msk.f32 $0xffff, v29;
	v25 =	vsel vm1, v21, v1;
	v29 =	vsel vm1, v22, v9;
	vm1 =	vge.f32 v53, v3;
	v57, v58, _ =	vpop (xrf1);
	(pc) =	sbr.rel @p0 .LBB2_3-.Ltmp0, $4  }
0x281: {  	(xrf2) =	vadd.scan.msk.f32 $0xffff, v27;
	v30 =	vsel vm1, v53, v3;
	v35 =	vsel vm1, v54, v5;
	vm1 =	vge.f32 v57, v62;
	v59, v60, _ =	vpop (xrf1)  }
0x282: {  	s15 =	smov.u32 s16;
	s16 =	sadd.s32 $0x400, s16;
	[tilespmem:s14+$0x80] =	vst v23;
	s30 =	spop (v2sf);
	v37 =	vsel vm1, v57, v62;
	v38 =	vsel vm1, v58, v63;
	vm1 =	vge.f32 v59, v8;
	v62, v61, _ =	vpop (xrf1)  }
0x283: {  	s19 =	sadd.f32 $9.999999680e-21, s30;
	[tilespmem:s16+$0x180] =	vst v49;
	s31 =	spop (v2sf);
	v63, _, _ =	vpop (xrf2);
	v21 =	vsel vm1, v59, v8;
	v22 =	vsel vm1, v60, v13;
	vm1 =	vge.f32 v62, v10  }
0x284: {  	s18 =	sadd.s32 $0x400, s18;
	s20 =	sadd.f32 $9.999999680e-21, s31;
	(xrf1) =	vsort.dscd.msk.f32 $0xffff, v14, v19;
	(v2sf) =	vpush v63, $0xF;
	_, v18, _ =	vpop (xrf1);
	v24 =	vsel vm1, v62, v10;
	v23 =	vsel vm1, v61, v12  }
0x285: {  	(xrf1) =	vsort.dscd.msk.f32 $0xffff, v20, v28  }
0x286: {  	(xrf1) =	vsort.dscd.msk.f32 $0xffff, v25, v29;
	_ =	sdelay $0x6  }
0x287: {  	(xrf1) =	vsort.dscd.msk.f32 $0xffff, v30, v35  }
0x288: {  	(xrf1) =	vsort.dscd.msk.f32 $0xffff, v37, v38  }
0x289: {  	_, v33, _ =	vpop (xrf1)  }
0x28a: {  	_, v34, _ =	vpop (xrf1)  }
0x28b: {  	(xrf1) =	vsort.dscd.msk.f32 $0xffff, v21, v22;
	_, v0, _ =	vpop (xrf1)  }
0x28c: {  	(xrf1) =	vsort.dscd.msk.f32 $0xffff, v24, v23;
	v1, v2, _ =	vpop (xrf1)  }
0x28d: {  	v3, v5, _ =	vpop (xrf1)  }
0x28e: {  	v6, v7, _ =	vpop (xrf1);
	_ =	sdelay $0x1  }
0x28f: {  	v10 =	vld.idx.msk [tilespmem:v2+s8+$0x0], $0xffff;
	_ =	sdelay $0x1  }
0x290: {  	v12 =	vld.idx.msk [tilespmem:v7+s8+$0x0], $0xffff;
	_ =	sdelay $0x2  }
0x291: {  	v8, v9, _ =	vpop (xrf1);
	v11 =	vld.idx.msk [tilespmem:v5+s8+$0x0], $0xffff;
	v1 =	vsub.f32 v1, v10  }
0x292: {  	v14, v19, _ =	vpop (xrf1)  }
0x293: {  	v38 =	vsub.f32 v6, v12;
	v6 =	vnsel vm0, $0x0, v1  }
0x294: {  	(xrf2) =	vadd.scan.msk.f32 $0xffff, v6  }
0x295: {  	v36, v35, _ =	vpop (xrf1)  }
0x296: {  	v37 =	vsub.f32 v3, v11;
	v3, v11, _ =	vpop (xrf1);
	v6 =	vld.idx.msk [tilespmem:v19+s8+$0x0], $0xffff  }
0x297: {  	v13 =	vld.idx.msk [tilespmem:v9+s8+$0x0], $0xffff  }
0x298: {  	v40 =	vnsel vm0, $0x0, v37  }
0x299: {  	v41 =	vld.idx.msk [tilespmem:v35+s8+$0x0], $0xffff;
	v12 =	vnsel vm0, $0x0, v38;
	(xrf2) =	vadd.scan.msk.f32 $0xffff, v40  }
0x29a: {  	(xrf2) =	vadd.scan.msk.f32 $0xffff, v12;
	v42 =	vld.idx.msk [tilespmem:v11+s8+$0x0], $0xffff  }
0x29b: {  	v27 =	vsub.f32 v14, v6;
	v6, _, _ =	vpop (xrf2)  }
0x29c: {  	v39 =	vsub.f32 v8, v13;
	v44, _, _ =	vpop (xrf2);
	(v2sf) =	vpush v6, $0xF  }
0x29d: {  	(v2sf) =	vpush v44, $0xF;
	v6, _, _ =	vpop (xrf2)  }
0x29e: {  	v13 =	vnsel vm0, $0x0, v39;
	v43 =	vsub.f32 v36, v41;
	(v2sf) =	vpush v6, $0xF;
	v6, _, _ =	vpop (xrf2)  }
0x29f: {  	(xrf2) =	vadd.scan.msk.f32 $0xffff, v13;
	v45 =	vsub.f32 v3, v42;
	v3 =	vnsel vm0, $0x0, v27;
	(v2sf) =	vpush v6, $0xF  }
0x2a0: {  	v46 =	vnsel vm0, $0x0, v43;
	(xrf2) =	vadd.scan.msk.f32 $0xffff, v3  }
0x2a1: {  	v3 =	vnsel vm0, $0x0, v45;
	(xrf2) =	vadd.scan.msk.f32 $0xffff, v46  }
0x2a2: {  	(xrf2) =	vadd.scan.msk.f32 $0xffff, v3  }
0x2a3: {  	v6, _, _ =	vpop (xrf2)  }
0x2a4: {  	v3, _, _ =	vpop (xrf2);
	(v2sf) =	vpush v6, $0xF  }
0x2a5: {  	(v2sf) =	vpush v3, $0xF;
	_ =	sdelay $0x3  }
0x2a6: {  	s17 =	spop (v2sf);
	v3, _, _ =	vpop (xrf2)  }
0x2a7: {  	s18 =	spop (v2sf);
	(v2sf) =	vpush v3, $0xF;
	v3, _, _ =	vpop (xrf2)  }
0x2a8: {  	(erf) = vrcp.f32 v26;
	s17 =	sadd.f32 $9.999999680e-21, s17;
	v6 =	vmov s19;
	(v2sf) =	vpush v3, $0xF;
	v3, _, _ =	vpop (xrf2);
	s29 =	spop (v2sf)  }
0x2a9: {  	s18 =	sadd.f32 $9.999999680e-21, s18;
	(erf) = vrcp.f32 v6;
	(v2sf) =	vpush v3, $0xF;
	v3, _, _ =	vpop (xrf2);
	s30 =	spop (v2sf)  }
0x2aa: {  	(v2sf) =	vpush v3, $0xF;
	v3 =	vmov s20;
	s31 =	sadd.f32 $9.999999680e-21, s29;
	s21 =	spop (v2sf)  }
0x2ab: {  	(erf) = vrcp.f32 v3;
	v3 =	vmov s17;
	s20 =	sadd.f32 $9.999999680e-21, s30;
	s22 =	spop (v2sf)  }
0x2ac: {  	v6 =	vmov s18;
	(erf) = vrcp.f32 v3;
	s18 =	sadd.f32 $9.999999680e-21, s22  }
0x2ad: {  	s19 =	sadd.f32 $9.999999680e-21, s21;
	v3 =	vmov s31;
	(erf) = vrcp.f32 v6  }
0x2ae: {  	(xrf1) =	vsort.ascd.msk.u32 $0xffff, v51, v2;
	v6 =	vmov s20;
	(erf) = vrcp.f32 v3;
	v2 =	vmov s18  }
0x2af: {  	v3 =	vmov s19;
	(erf) = vrcp.f32 v6  }
0x2b0: {  	v4 =	vld [tilespmem:$0x1FED0];
	s23 =	spop (v2sf);
	(erf) = vrcp.f32 v3  }
0x2b1: {  	s24 =	spop (v2sf);
	s17 =	sadd.f32 $9.999999680e-21, s23;
	(erf) = vrcp.f32 v2;
	v2 =	vpop (erf)  }
0x2b2: {  	(xrf1) =	vsort.ascd.msk.u32 $0xffff, v51, v5;
	s25 =	sadd.f32 $9.999999680e-21, s24;
	v5 =	vpop (erf)  }
0x2b3: {  	v3 =	vmov s17;
	v5 =	vmul.f32 v5, v56  }
0x2b4: {  	(erf) = vrcp.f32 v3;
	v3 =	vmov s25  }
0x2b5: {  	v5 =	vsel vm0, v5, v4;
	v4 =	vld [tilespmem:$0x1FEE0];
	_ =	sdelay $0x1  }
0x2b6: {  	(erf) = vrcp.f32 v3;
	v3 =	vpop (erf)  }
0x2b7: {  	v3 =	vmul.f32 v3, v17  }
0x2b8: {  	[tilespmem:s15+$0xFFFFFE00] =	vst v5  }
0x2b9: {  	v3 =	vsel vm0, v3, v4;
	v4 =	vld [tilespmem:$0x1FEC0]  }
0x2ba: {  	s26 =	spop (v2sf)  }
0x2bb: {  	s28 =	sadd.f32 $9.999999680e-21, s26  }
0x2bc: {  	v2 =	vmul.f32 v2, v55  }
0x2bd: {  	(xrf1) =	vsort.ascd.msk.u32 $0xffff, v51, v7;
	v6 =	vmov s28  }
0x2be: {  	[tilespmem:s15+$0xFFFFFE80] =	vst v3;
	v2 =	vsel vm0, v2, v4  }
0x2bf: {  	(xrf1) =	vsort.ascd.msk.u32 $0xffff, v51, v9;
	s29 =	spop (v2sf);
	[tilespmem:s14+$0x100] =	vst v2  }
0x2c0: {  	(xrf1) =	vsort.ascd.msk.u32 $0xffff, v51, v19;
	(erf) = vrcp.f32 v6;
	s17 =	sadd.f32 $9.999999680e-21, s29;
	s30 =	spop (v2sf);
	v6 =	vpop (erf);
	v2 =	vld [tilespmem:$0x1FEF0]  }
0x2c1: {  	s18 =	sadd.f32 $9.999999680e-21, s30;
	s31 =	spop (v2sf);
	v7 =	vpop (erf)  }
0x2c2: {  	v1 =	vmul.f32 $2.500000000e+00, v1;
	v58 =	vmul.f32 $2.500000000e+00, v37;
	s19 =	sadd.f32 $9.999999680e-21, s31;
	v50 =	vmov s17;
	v47 =	vpop (erf)  }
0x2c3: {  	(xrf1) =	vsort.ascd.msk.u32 $0xffff, v51, v35;
	v5 =	vmul.f32 v6, v52;
	(erf) = vrcp.f32 v50;
	v48 =	vpop (erf)  }
0x2c4: {  	(xrf1) =	vsort.ascd.msk.u32 $0xffff, v51, v11;
	v54 =	vmov s18;
	v55 =	vmov s19;
	v49 =	vpop (erf);
	v3 =	vmul.f32 v7, v32  }
0x2c5: {  	v53 =	vpop (erf);
	v10 =	vmul.f32 v49, v16;
	v2 =	vsel vm0, v5, v2;
	v5 =	vmul.f32 v47, v15  }
0x2c6: {  	v6 =	vpop (erf);
	(erf) = vrcp.f32 v54;
	[tilespmem:s15+$0xFFFFFF00] =	vst v2;
	v2 =	vsel vm0, v3, v18;
	v3 =	vmul.f32 v48, v31  }
0x2c7: {  	v1 =	vmul.f32 v53, v1;
	v7 =	vpop (erf);
	(erf) = vrcp.f32 v55;
	[tilespmem:s15+$0xFFFFFF80] =	vst v2;
	v2 =	vsel vm0, v5, v33  }
0x2c8: {  	_, v57, _ =	vpop (xrf1);
	[tilespmem:s15+$0x0] =	vst v2;
	v2 =	vsel vm0, v3, v34;
	v3 =	vmul.f32 v6, v58;
	v6 =	vmul.f32 $2.500000000e+00, v39  }
0x2c9: {  	v60 =	vmul.f32 $2.500000000e+00, v38;
	_, v59, _ =	vpop (xrf1);
	v1 =	vsel vm0, v1, v57  }
0x2ca: {  	v0 =	vsel vm0, v10, v0;
	v56 =	vpop (erf);
	[tilespmem:s16+$0xFFFFFE00] =	vst v1  }
0x2cb: {  	v61 =	vmul.f32 $2.500000000e+00, v27;
	[tilespmem:s15+$0x100] =	vst v0;
	_, v5, _ =	vpop (xrf1);
	v1 =	vsel vm0, v3, v59;
	v3 =	vmul.f32 v7, v60  }
0x2cc: {  	[tilespmem:s16+$0xFFFFFE80] =	vst v1;
	v1 =	vmul.f32 v56, v6;
	v6 =	vpop (erf)  }
0x2cd: {  	[tilespmem:s15+$0x80] =	vst v2;
	_, v2, _ =	vpop (xrf1);
	v0 =	vsel vm0, v3, v5;
	v3 =	vmul.f32 v6, v61  }
0x2ce: {  	v7 =	vmul.f32 $2.500000000e+00, v43;
	_, v62, _ =	vpop (xrf1)  }
0x2cf: {  	v63 =	vmul.f32 $2.500000000e+00, v45;
	v5 =	vpop (erf)  }
0x2d0: {  	[tilespmem:s16+$0xFFFFFF00] =	vst v0;
	v0 =	vsel vm0, v1, v2;
	v1 =	vmul.f32 v5, v7;
	v2 =	vpop (erf)  }
0x2d1: {  	[tilespmem:s16+$0xFFFFFF80] =	vst v0;
	_, v5, _ =	vpop (xrf1);
	v0 =	vsel vm0, v3, v62;
	v2 =	vmul.f32 v2, v63  }
0x2d2: {  	[tilespmem:s16+$0x0] =	vst v0;
	v0 =	vsel vm0, v1, v5;
	_, v3, _ =	vpop (xrf1)  }
0x2d3: {  	s12 =	sadd.s32 $0x1, s12;
	[tilespmem:s16+$0x80] =	vst v0;
	v0 =	vsel vm0, v2, v3  }
0x2d4: {  	s13 =	sadd.s32 s5, s13;
	p0 =	sne.s32 s12, $0x4;
	[tilespmem:s16+$0x100] =	vst v0  }
0x2d5: {  	[hbm4b:s13+s2] =	stream.linear.scatter [tilespmem:s10], [sflag:$0x1], $0x8000, $0x38;
	[tilespmem:$0x10080] =	vst v63  }
.Ltmp1:
0x2d6: {  	_ =	swait.ge [sflag:s9], $0x8000;
	(pc) =	sbr.rel @p0 .LBB2_2-.Ltmp1, $4  }
0x2d7: {  	v1 =	vld [tilespmem:$0x1FFD0]  }
0x2d8: {  	v2 =	vld [tilespmem:$0x1FFC0]  }
0x2d9: {  	[sflag:s9] =	ssyncset.done $0x0;
	v3 =	vld [tilespmem:$0x1FFE0]  }
0x2da: {  	v0 =	vlaneseq.u32;
	v4 =	vld [tilespmem:$0x1FFF0];
	[sflag:s9] =	ssyncadd.s32 $0xFFFF8000  }
0x2db: {  	s11 =	sadd.s32 $0x1, s11  }
0x2dc: {  	p0 =	sne.s32 s11, s7  }
.Ltmp2:
0x2dd: {  	_ = 	snop;
	(pc) =	sbr.rel @p0 .LBB2_1-.Ltmp2, $1  }
0x2de: {  	_ =	sdelay $0x3  }
0x2df: {  	_ =	sfence.sel $0x180000  }
0x2e0: {  	[bflag:$0x0] =	sbarrier.arrive $0xFFFF  }
0x2e1: {  	p0 =	sne.s32 s4, $0x0;
	_ =	strace $0x90000047  }
0x2e2: {  	s0 =	sadd.s32 @!p0 $0x100000, s0;
	[bflag:$0x2] =	sbarrier.arrive $0xFFFF  }
0x2e3: {  	[sflag:s0] =	ssyncadd.tile.s32 @!p0 $0x1;
	_ =	shalt  }
.Lfunc_end2:
_tile_overlayer_lowered:
.L_overlay_start_2:
0x2e4: {  	(tag) =	ssettag $0x2  }
0x2e5: {  	s0 =	rddreg [dreg:$0x0];
	s2 =	stileid.u32  }
0x2e6: {  	s1 =	rddreg [dreg:$0x1];
	p0 =	sne.s32 s2, $0x0  }
0x2e7: {  	s3 =	rddreg [dreg:$0x2];
	[bflag:$0x3] =	sbarrier.arrive $0xFFFF;
	s2 =	simm.s32 @!p0 $0x1C01  }
0x2e8: {  	[timem:s3], [sflag:s2] =	dma.local @!p0 [hbm:s0], s1  }
0x2e9: {  	s0 =	simm.s32 @!p0 $0x1  }
0x2ea: {  	_ =	swait.ge @!p0 [sflag:s0], s1  }
0x2eb: {  	s1 =	ssub.s32 @!p0 $0x0, s1;
	[sflag:s0] =	ssyncset.done @!p0 $0x0  }
0x2ec: {  	[sflag:s0] =	ssyncadd.s32 @!p0 s1  }
0x2ed: {  	[bflag:$0x3] =	sbarrier.arrive $0xFFFF  }
0x2ee: {  	_ =	shalt  }

</sc_bundles>
